<compile_context>
chip_gen: v7x
topology: tpu7x:2x2x1
jax: 0.10.2.dev20260603
libtpu: 0.0.44.dev20260713+nightly
codegen_flags: <defaults>
</compile_context>

<pallas_src>
import functools

import jax
import jax.numpy as jnp
from jax import lax
from jax.experimental import pallas as pl
from jax.experimental.pallas import tpu as pltpu
from jax.experimental.pallas import tpu_sc as plsc

_K = 16
_N = 4096
_BM = 512
_M_SC = 1024
_M_TC = _N - _M_SC
_NW = 32
_ROWS_PER = _M_SC // _NW
_NCHUNK = _N // _K


def _dist(q, pt, sqq, sqp):
    d = lax.dot_general(
        q, pt,
        dimension_numbers=(((1,), (0,)), ((), ())),
        precision=lax.Precision.DEFAULT,
        preferred_element_type=jnp.float32,
    )
    d = -2.0 * d
    d = d + sqq
    d = d + sqp
    return d


def _select_body(q_ref, pt_ref, sqq_ref, sqp_ref, out_ref):
    d = _dist(q_ref[...], pt_ref[...], sqq_ref[...], sqp_ref[...])
    iota = lax.broadcasted_iota(jnp.int32, (1, _N), 1)
    for j in range(_K):
        im = jnp.argmin(d, axis=1).astype(jnp.int32)[:, None]
        out_ref[:, j:j + 1] = im
        d = jnp.where(iota == im, jnp.float32(jnp.inf), d)


def _dist_body(q_ref, pt_ref, sqq_ref, sqp_ref, out_ref, cm_ref):
    d = _dist(q_ref[...], pt_ref[...], sqq_ref[...], sqp_ref[...])
    out_ref[...] = d
    cm = d[:, 0:_NCHUNK]
    for j in range(1, _K):
        cm = jnp.minimum(cm, d[:, j * _NCHUNK:(j + 1) * _NCHUNK])
    cm_ref[...] = cm


def _sc_topk_body(d_hbm, cm_hbm, out_hbm, dbuf0, dbuf1, cbuf, obuf, sem0, sem1):
    wid = lax.axis_index("s") * 2 + lax.axis_index("c")
    base = wid * _ROWS_PER
    iota16 = lax.iota(jnp.int32, _K)
    sems = (sem0, sem1)

    def _scalar(vec, i):
        return lax.squeeze(lax.slice(vec, (i,), (i + 1,)), (0,))

    pltpu.sync_copy(cm_hbm.at[pl.ds(base, _ROWS_PER)], cbuf)

    def _row(r, dbuf):
        def superstep(s, carry):
            bv, bi, worst = carry
            cmv = cbuf[r, pl.ds(s * _K, _K)]
            mask = (cmv <= worst) & ((s > 0) | (iota16 > 0))

            def hit_cond(st):
                mask, bv, bi, worst = st
                n = plsc.all_reduce_population_count(mask)
                return _scalar(n, 0) > 0

            def hit_body(st):
                mask, bv, bi, worst = st
                cl = _scalar(plsc.all_reduce_ffs(mask), 0)
                c = s * _K + cl
                ci = c + _NCHUNK * iota16
                x = plsc.load_gather(dbuf, [ci])
                xv, xi = plsc.sort_key_val(x, ci)
                rbv = lax.rev(bv, (0,))
                rbi = lax.rev(bi, (0,))
                take = (xv < rbv) | ((xv == rbv) & (xi < rbi))
                nv = jnp.where(take, xv, rbv)
                ni = jnp.where(take, xi, rbi)
                sv, si = plsc.sort_key_val(nv, ni)
                nworst = _scalar(sv, _K - 1)
                nmask = mask & (iota16 != cl) & (cmv <= nworst)
                return nmask, sv, si, nworst

            _, bv, bi, worst = lax.while_loop(
                hit_cond, hit_body, (mask, bv, bi, worst))
            return bv, bi, worst

        ci0 = _NCHUNK * iota16
        bv0, bi0 = plsc.sort_key_val(plsc.load_gather(dbuf, [ci0]), ci0)
        init = (bv0, bi0, _scalar(bv0, _K - 1))
        _, bi, _ = lax.fori_loop(0, _NCHUNK // _K, superstep, init)
        obuf[r, :] = bi

    bufs = (dbuf0, dbuf1)

    def _start(row, b):
        pltpu.make_async_copy(d_hbm.at[row], bufs[b], sems[b]).start()

    def _wait(b):
        pltpu.make_async_copy(d_hbm.at[base], bufs[b], sems[b]).wait()

    _start(base, 0)

    def pair_body(p, token):
        r0 = 2 * p
        r1 = r0 + 1
        _start(base + r1, 1)
        _wait(0)
        _row(r0, dbuf0)
        rn = jnp.minimum(r0 + 2, _ROWS_PER - 1)
        _start(base + rn, 0)
        _wait(1)
        _row(r1, dbuf1)
        return token

    lax.fori_loop(0, _ROWS_PER // 2, pair_body, 0)
    _wait(0)
    pltpu.sync_copy(obuf, out_hbm.at[pl.ds(base, _ROWS_PER)])


_sc_topk = functools.partial(
    pl.kernel,
    out_type=jax.ShapeDtypeStruct((_M_SC, _K), jnp.int32),
    mesh=plsc.VectorSubcoreMesh(core_axis_name="c", subcore_axis_name="s"),
    scratch_types=[
        pltpu.VMEM((_N,), jnp.float32),
        pltpu.VMEM((_N,), jnp.float32),
        pltpu.VMEM((_ROWS_PER, _NCHUNK), jnp.float32),
        pltpu.VMEM((_ROWS_PER, _K), jnp.int32),
        pltpu.SemaphoreType.DMA,
        pltpu.SemaphoreType.DMA,
    ],
    compiler_params=pltpu.CompilerParams(needs_layout_passes=False),
)(_sc_topk_body)


@jax.jit
def _knn16(v0):
    xyz = jnp.pad(v0, ((0, 0), (0, 5)))
    sq = jnp.sum(v0 ** 2, axis=-1)
    sqq = sq[:, None]
    sqp = sq[None, :]
    pt = xyz.T

    idx_tc = pl.pallas_call(
        _select_body,
        grid=(_M_TC // _BM,),
        in_specs=[
            pl.BlockSpec((_BM, 8), lambda i: (i, 0)),
            pl.BlockSpec((8, _N), lambda i: (0, 0)),
            pl.BlockSpec((_BM, 1), lambda i: (i, 0)),
            pl.BlockSpec((1, _N), lambda i: (0, 0)),
        ],
        out_specs=pl.BlockSpec((_BM, _K), lambda i: (i, 0)),
        out_shape=jax.ShapeDtypeStruct((_M_TC, _K), jnp.int32),
    )(xyz, pt, sqq, sqp)

    d_sc, cm_sc = pl.pallas_call(
        _dist_body,
        grid=(_M_SC // _BM,),
        in_specs=[
            pl.BlockSpec((_BM, 8), lambda i: (i + _M_TC // _BM, 0)),
            pl.BlockSpec((8, _N), lambda i: (0, 0)),
            pl.BlockSpec((_BM, 1), lambda i: (i + _M_TC // _BM, 0)),
            pl.BlockSpec((1, _N), lambda i: (0, 0)),
        ],
        out_specs=[
            pl.BlockSpec((_BM, _N), lambda i: (i, 0)),
            pl.BlockSpec((_BM, _NCHUNK), lambda i: (i, 0)),
        ],
        out_shape=[
            jax.ShapeDtypeStruct((_M_SC, _N), jnp.float32),
            jax.ShapeDtypeStruct((_M_SC, _NCHUNK), jnp.float32),
        ],
    )(xyz, pt, sqq, sqp)

    idx_sc = _sc_topk(d_sc, cm_sc)
    return jnp.concatenate([idx_tc, idx_sc], axis=0)


def kernel(F, vertices):
    del F
    return _knn16(vertices[0])

# --- scband reference (transcript-rebuilt; emitter-appended) ---
"""Pipeline reference for scband-knn-dist-91225105367770 (READ-ONLY COPY).

The authoritative reference and input builder live on the scoring server;
editing this copy changes nothing except your own understanding.
"""

import jax, jax.numpy as jnp
import numpy as np

K_NEIGHBORS = 16

def setup_inputs(seed: int = 0) -> dict:
    key = jax.random.key(seed)
    k1, k2 = jax.random.split(key)
    F = jax.random.normal(k1, (4, 4096, 64), dtype=jnp.float32)
    vertices = jax.random.normal(k2, (4, 4096, 3), dtype=jnp.float32)
    return {"F": F, "vertices": vertices}

def square_distance(src, dst):
    # src: [B, N, C], dst: [B, M, C] -> [B, N, M]
    dist = -2.0 * jnp.matmul(src, jnp.swapaxes(dst, 1, 2))
    dist = dist + jnp.sum(src ** 2, -1)[:, :, None]
    dist = dist + jnp.sum(dst ** 2, -1)[:, None, :]
    return dist

def knn(nsample, xyz, new_xyz):
    # torch: topk(dist, k, dim=1, largest=False)[1] -> [B, k, M]; transpose(1,2) -> [B, M, k]
    dist = square_distance(xyz, new_xyz)            # [B, N, M]
    neg_t = jnp.swapaxes(-dist, 1, 2)               # [B, M, N]
    _, idx = jax.lax.top_k(neg_t, nsample)          # [B, M, k] smallest distances along N
    return idx

def reference(F, vertices):
    # F is unused in the active (non-commented) forward of the original module
    idx = knn(K_NEIGHBORS, vertices, vertices)      # [B, M, k]
    idx = idx[0]                                    # index_select batch 0 + squeeze -> [M, k]
    return idx

if __name__ == "__main__":
    import jax
    _d = setup_inputs()
    print(jax.jit(kernel)(*tuple(_d.values())))

</pallas_src>

<mosaic_0001>
#map = affine_map<(d0, d1) -> (0, 0)>
module attributes {stable_mosaic.version = 14 : i64} {
  func.func @_sc_topk_body(%arg0: i32, %arg1: i32, %arg2: memref<1024x4096xf32, #tpu.memory_space<hbm>>, %arg3: memref<1024x256xf32, #tpu.memory_space<hbm>>, %arg4: memref<1024x16xi32, #tpu.memory_space<hbm>>, %arg5: memref<4096xf32, #tpu.memory_space<vmem>>, %arg6: memref<4096xf32, #tpu.memory_space<vmem>>, %arg7: memref<32x256xf32, #tpu.memory_space<vmem>>, %arg8: memref<32x16xi32, #tpu.memory_space<vmem>>, %arg9: memref<!tpu.dma_semaphore, #tpu.memory_space<semaphore_mem>>, %arg10: memref<!tpu.dma_semaphore, #tpu.memory_space<semaphore_mem>>) attributes {dimension_semantics = [#tpu.dimension_semantics<core_parallel>, #tpu.dimension_semantics<subcore_parallel>], iteration_bounds = array<i64: 2, 16>, scalar_prefetch = 0 : i64, scratch_operands = 6 : i64, tpu.core_type = #tpu.core_type<sc_vector_subcore>, window_params = [{transform_indices = #map}, {transform_indices = #map}, {transform_indices = #map}]} {
    %mul3A = arith.constant 2 : i32
    %mul3A_0 = arith.muli %arg1, %mul3A : i32
    %add3A = arith.addi %mul3A_0, %arg0 : i32
    %mul3A_1 = arith.constant 32 : i32
    %mul3A_2 = arith.muli %add3A, %mul3A_1 : i32
    %iota3A = tpu.iota {dimensions = array<i32: 0>} : vector<16xi32>
    "tpu.region"() ({
      %run_scoped3A = tpu.sem_alloc : memref<!tpu.dma_semaphore, #tpu.memory_space<semaphore_mem>>
      %dma_start3A_18 = arith.constant 0 : i32
      %dma_start3A_19 = tpu.memref_slice %arg3[%mul3A_2, %dma_start3A_18] : memref<1024x256xf32, #tpu.memory_space<hbm>> -> memref<32x256xf32, #tpu.memory_space<hbm>>
      %dma_start3A_20 = arith.constant 0 : i32
      %dma_start3A_21 = tpu.memref_slice %arg3[%mul3A_2, %dma_start3A_20] : memref<1024x256xf32, #tpu.memory_space<hbm>> -> memref<32x256xf32, #tpu.memory_space<hbm>>
      tpu.enqueue_dma source(%dma_start3A_21 : memref<32x256xf32, #tpu.memory_space<hbm>>) target(%arg7 : memref<32x256xf32, #tpu.memory_space<vmem>>) target_semaphore(%run_scoped3A : memref<!tpu.dma_semaphore, #tpu.memory_space<semaphore_mem>>)
      %dma_wait3A_22 = arith.constant 0 : i32
      %dma_wait3A_23 = tpu.memref_slice %arg3[%mul3A_2, %dma_wait3A_22] : memref<1024x256xf32, #tpu.memory_space<hbm>> -> memref<32x256xf32, #tpu.memory_space<hbm>>
      %dma_wait3A_24 = arith.constant 0 : i32
      %dma_wait3A_25 = tpu.memref_slice %arg3[%mul3A_2, %dma_wait3A_24] : memref<1024x256xf32, #tpu.memory_space<hbm>> -> memref<32x256xf32, #tpu.memory_space<hbm>>
      tpu.wait_dma2 semaphore(%run_scoped3A : memref<!tpu.dma_semaphore, #tpu.memory_space<semaphore_mem>>) src(%dma_wait3A_25 : memref<32x256xf32, #tpu.memory_space<hbm>>) dst(%arg7 : memref<32x256xf32, #tpu.memory_space<vmem>>)
      tpu.yield
    }) : () -> ()
    %dma_start3A = arith.constant 0 : i32
    %dma_start3A_3 = tpu.memref_slice %arg2[%mul3A_2, %dma_start3A] : memref<1024x4096xf32, #tpu.memory_space<hbm>> -> memref<1x4096xf32, #tpu.memory_space<hbm>>
    %dma_start3A_4 = tpu.memref_squeeze %dma_start3A_3 : memref<1x4096xf32, #tpu.memory_space<hbm>> -> memref<4096xf32, #tpu.memory_space<hbm>>
    %dma_start3A_5 = arith.constant 0 : i32
    %dma_start3A_6 = tpu.memref_slice %arg2[%mul3A_2, %dma_start3A_5] : memref<1024x4096xf32, #tpu.memory_space<hbm>> -> memref<1x4096xf32, #tpu.memory_space<hbm>>
    %dma_start3A_7 = tpu.memref_squeeze %dma_start3A_6 : memref<1x4096xf32, #tpu.memory_space<hbm>> -> memref<4096xf32, #tpu.memory_space<hbm>>
    tpu.enqueue_dma source(%dma_start3A_7 : memref<4096xf32, #tpu.memory_space<hbm>>) target(%arg5 : memref<4096xf32, #tpu.memory_space<vmem>>) target_semaphore(%arg9 : memref<!tpu.dma_semaphore, #tpu.memory_space<semaphore_mem>>)
    %scan3A = arith.constant 0 : i32
    %scan3A_8 = arith.constant 0 : i32
    %scan3A_9 = arith.constant 16 : i32
    %scan3A_10 = arith.addi %scan3A_8, %scan3A_9 : i32
    %scan3A_11 = arith.constant 1 : i32
    scf.for %scan3A_18 = %scan3A_8 to %scan3A_10 step %scan3A_11  : i32 {
      %mul3A_19 = arith.constant 2 : i32
      %mul3A_20 = arith.muli %mul3A_19, %scan3A_18 : i32
      %add3A_21 = arith.constant 1 : i32
      %add3A_22 = arith.addi %mul3A_20, %add3A_21 : i32
      %add3A_23 = arith.addi %mul3A_2, %add3A_22 : i32
      %dma_start3A_24 = arith.constant 0 : i32
      %dma_start3A_25 = tpu.memref_slice %arg2[%add3A_23, %dma_start3A_24] : memref<1024x4096xf32, #tpu.memory_space<hbm>> -> memref<1x4096xf32, #tpu.memory_space<hbm>>
      %dma_start3A_26 = tpu.memref_squeeze %dma_start3A_25 : memref<1x4096xf32, #tpu.memory_space<hbm>> -> memref<4096xf32, #tpu.memory_space<hbm>>
      %dma_start3A_27 = arith.constant 0 : i32
      %dma_start3A_28 = tpu.memref_slice %arg2[%add3A_23, %dma_start3A_27] : memref<1024x4096xf32, #tpu.memory_space<hbm>> -> memref<1x4096xf32, #tpu.memory_space<hbm>>
      %dma_start3A_29 = tpu.memref_squeeze %dma_start3A_28 : memref<1x4096xf32, #tpu.memory_space<hbm>> -> memref<4096xf32, #tpu.memory_space<hbm>>
      tpu.enqueue_dma source(%dma_start3A_29 : memref<4096xf32, #tpu.memory_space<hbm>>) target(%arg6 : memref<4096xf32, #tpu.memory_space<vmem>>) target_semaphore(%arg10 : memref<!tpu.dma_semaphore, #tpu.memory_space<semaphore_mem>>)
      %dma_wait3A_30 = arith.constant 0 : i32
      %dma_wait3A_31 = tpu.memref_slice %arg2[%mul3A_2, %dma_wait3A_30] : memref<1024x4096xf32, #tpu.memory_space<hbm>> -> memref<1x4096xf32, #tpu.memory_space<hbm>>
      %dma_wait3A_32 = tpu.memref_squeeze %dma_wait3A_31 : memref<1x4096xf32, #tpu.memory_space<hbm>> -> memref<4096xf32, #tpu.memory_space<hbm>>
      %dma_wait3A_33 = arith.constant 0 : i32
      %dma_wait3A_34 = tpu.memref_slice %arg2[%mul3A_2, %dma_wait3A_33] : memref<1024x4096xf32, #tpu.memory_space<hbm>> -> memref<1x4096xf32, #tpu.memory_space<hbm>>
      %dma_wait3A_35 = tpu.memref_squeeze %dma_wait3A_34 : memref<1x4096xf32, #tpu.memory_space<hbm>> -> memref<4096xf32, #tpu.memory_space<hbm>>
      tpu.wait_dma2 semaphore(%arg9 : memref<!tpu.dma_semaphore, #tpu.memory_space<semaphore_mem>>) src(%dma_wait3A_35 : memref<4096xf32, #tpu.memory_space<hbm>>) dst(%arg5 : memref<4096xf32, #tpu.memory_space<vmem>>)
      %mul3A_36 = arith.constant 256 : i32
      %mul3A_37 = vector.broadcast %mul3A_36 : i32 to vector<16xi32>
      %mul3A_38 = arith.muli %mul3A_37, %iota3A : vector<16xi32>
      %gather3A = tpu.vector_load_idx %arg5[%mul3A_38] : memref<4096xf32, #tpu.memory_space<vmem>>[vector<16xi32>], vector<16xf32>,
      %masked_sort3A = arith.constant dense<true> : vector<16xi1>
      %masked_sort3A_39, %masked_sort3A_40, %masked_sort3A_41 = tpu.sort %gather3A, %mul3A_38 masked %masked_sort3A : (vector<16xf32>, vector<16xi32>, vector<16xi1>) -> (vector<16xi1>, vector<16xf32>, vector<16xi32>)
      %slice3A = vector.extract_strided_slice %masked_sort3A_40 {offsets = [15], sizes = [1], strides = [1]} : vector<16xf32> to vector<1xf32>
      %squeeze3A = vector.extract %slice3A[0] : f32 from vector<1xf32>
      %scan3A_42 = arith.constant 0 : i32
      %scan3A_43 = arith.constant 16 : i32
      %scan3A_44 = arith.addi %scan3A_42, %scan3A_43 : i32
      %scan3A_45 = arith.constant 1 : i32
      %scan3A_46:3 = scf.for %scan3A_85 = %scan3A_42 to %scan3A_44 step %scan3A_45 iter_args(%scan3A_86 = %masked_sort3A_40, %scan3A_87 = %masked_sort3A_41, %scan3A_88 = %squeeze3A) -> (vector<16xf32>, vector<16xi32>, f32)  : i32 {
        %mul3A_89 = arith.constant 16 : i32
        %mul3A_90 = arith.muli %scan3A_85, %mul3A_89 : i32
        %get3A = arith.index_cast %mul3A_20 : i32 to index
        %get3A_91 = arith.index_cast %mul3A_90 : i32 to index
        %get3A_92 = tpu.vector_load %arg7[%get3A, %get3A_91] {strides = array<i32>} : memref<32x256xf32, #tpu.memory_space<vmem>>, vector<16xf32>,
        %le3A = vector.broadcast %scan3A_88 : f32 to vector<16xf32>
        %le3A_93 = arith.cmpf ole, %get3A_92, %le3A : vector<16xf32>
        %gt3A = arith.constant 0 : i32
        %gt3A_94 = arith.cmpi sgt, %scan3A_85, %gt3A : i32
        %gt3A_95 = arith.constant 0 : i32
        %gt3A_96 = vector.broadcast %gt3A_95 : i32 to vector<16xi32>
        %gt3A_97 = arith.cmpi sgt, %iota3A, %gt3A_96 : vector<16xi32>
        %or3A = vector.broadcast %gt3A_94 : i1 to vector<16xi1>
        %or3A_98 = arith.ori %or3A, %gt3A_97 : vector<16xi1>
        %and3A = arith.andi %le3A_93, %or3A_98 : vector<16xi1>
        %while3A:4 = scf.while (%while3A_99 = %and3A, %while3A_100 = %scan3A_86, %while3A_101 = %scan3A_87, %while3A_102 = %scan3A_88) : (vector<16xi1>, vector<16xf32>, vector<16xi32>, f32) -> (vector<16xi1>, vector<16xf32>, vector<16xi32>, f32) {
          %all_reduce_population_count3A = tpu.all_reduce %while3A_99 {dim = 0 : i64, kind = #tpu.reduction_kind<sum>} : vector<16xi1> -> vector<16xi32>
          %slice3A_103 = vector.extract_strided_slice %all_reduce_population_count3A {offsets = [0], sizes = [1], strides = [1]} : vector<16xi32> to vector<1xi32>
          %squeeze3A_104 = vector.extract %slice3A_103[0] : i32 from vector<1xi32>
          %gt3A_105 = arith.constant 0 : i32
          %gt3A_106 = arith.cmpi sgt, %squeeze3A_104, %gt3A_105 : i32
          scf.condition(%gt3A_106) %while3A_99, %while3A_100, %while3A_101, %while3A_102 : vector<16xi1>, vector<16xf32>, vector<16xi32>, f32
        } do {
        ^bb0(%while3A_99: vector<16xi1>, %while3A_100: vector<16xf32>, %while3A_101: vector<16xi32>, %while3A_102: f32):
          %all_reduce_ffs3A = tpu.all_reduce %while3A_99 {dim = 0 : i64, kind = #tpu.reduction_kind<find_first_set>} : vector<16xi1> -> vector<16xi32>
          %slice3A_103 = vector.extract_strided_slice %all_reduce_ffs3A {offsets = [0], sizes = [1], strides = [1]} : vector<16xi32> to vector<1xi32>
          %squeeze3A_104 = vector.extract %slice3A_103[0] : i32 from vector<1xi32>
          %mul3A_105 = arith.constant 16 : i32
          %mul3A_106 = arith.muli %scan3A_85, %mul3A_105 : i32
          %add3A_107 = arith.addi %mul3A_106, %squeeze3A_104 : i32
          %mul3A_108 = arith.constant 256 : i32
          %mul3A_109 = vector.broadcast %mul3A_108 : i32 to vector<16xi32>
          %mul3A_110 = arith.muli %mul3A_109, %iota3A : vector<16xi32>
          %add3A_111 = vector.broadcast %add3A_107 : i32 to vector<16xi32>
          %add3A_112 = arith.addi %add3A_111, %mul3A_110 : vector<16xi32>
          %gather3A_113 = tpu.vector_load_idx %arg5[%add3A_112] : memref<4096xf32, #tpu.memory_space<vmem>>[vector<16xi32>], vector<16xf32>,
          %masked_sort3A_114 = arith.constant dense<true> : vector<16xi1>
          %masked_sort3A_115, %masked_sort3A_116, %masked_sort3A_117 = tpu.sort %gather3A_113, %add3A_112 masked %masked_sort3A_114 : (vector<16xf32>, vector<16xi32>, vector<16xi1>) -> (vector<16xi1>, vector<16xf32>, vector<16xi32>)
          %rev3A = arith.constant 15 : i32
          %rev3A_118 = vector.broadcast %rev3A : i32 to vector<16xi32>
          %rev3A_119 = tpu.iota {dimensions = array<i32: 0>} : vector<16xi32>
          %rev3A_120 = arith.subi %rev3A_118, %rev3A_119 : vector<16xi32>
          %rev3A_121 = tpu.dynamic_gather %while3A_100[%rev3A_120] in [0] : vector<16xf32>, vector<16xi32> -> vector<16xf32>
          %rev3A_122 = arith.constant 15 : i32
          %rev3A_123 = vector.broadcast %rev3A_122 : i32 to vector<16xi32>
          %rev3A_124 = tpu.iota {dimensions = array<i32: 0>} : vector<16xi32>
          %rev3A_125 = arith.subi %rev3A_123, %rev3A_124 : vector<16xi32>
          %rev3A_126 = tpu.dynamic_gather %while3A_101[%rev3A_125] in [0] : vector<16xi32>, vector<16xi32> -> vector<16xi32>
          %lt3A = arith.cmpf olt, %masked_sort3A_116, %rev3A_121 : vector<16xf32>
          %eq3A = arith.cmpf oeq, %masked_sort3A_116, %rev3A_121 : vector<16xf32>
          %lt3A_127 = arith.cmpi slt, %masked_sort3A_117, %rev3A_126 : vector<16xi32>
          %and3A_128 = arith.andi %eq3A, %lt3A_127 : vector<16xi1>
          %or3A_129 = arith.ori %lt3A, %and3A_128 : vector<16xi1>
          %select_n3A = arith.select %or3A_129, %masked_sort3A_116, %rev3A_121 : vector<16xi1>, vector<16xf32>
          %select_n3A_130 = arith.select %or3A_129, %masked_sort3A_117, %rev3A_126 : vector<16xi1>, vector<16xi32>
          %masked_sort3A_131 = arith.constant dense<true> : vector<16xi1>
          %masked_sort3A_132, %masked_sort3A_133, %masked_sort3A_134 = tpu.sort %select_n3A, %select_n3A_130 masked %masked_sort3A_131 : (vector<16xf32>, vector<16xi32>, vector<16xi1>) -> (vector<16xi1>, vector<16xf32>, vector<16xi32>)
          %slice3A_135 = vector.extract_strided_slice %masked_sort3A_133 {offsets = [15], sizes = [1], strides = [1]} : vector<16xf32> to vector<1xf32>
          %squeeze3A_136 = vector.extract %slice3A_135[0] : f32 from vector<1xf32>
          %ne3A = vector.broadcast %squeeze3A_104 : i32 to vector<16xi32>
          %ne3A_137 = arith.cmpi ne, %iota3A, %ne3A : vector<16xi32>
          %and3A_138 = arith.andi %while3A_99, %ne3A_137 : vector<16xi1>
          %le3A_139 = vector.broadcast %squeeze3A_136 : f32 to vector<16xf32>
          %le3A_140 = arith.cmpf ole, %get3A_92, %le3A_139 : vector<16xf32>
          %and3A_141 = arith.andi %and3A_138, %le3A_140 : vector<16xi1>
          scf.yield %and3A_141, %masked_sort3A_133, %masked_sort3A_134, %squeeze3A_136 : vector<16xi1>, vector<16xf32>, vector<16xi32>, f32
        }
        scf.yield %while3A#1, %while3A#2, %while3A#3 : vector<16xf32>, vector<16xi32>, f32
      }
      %scan3A_47 = arith.constant 16 : i32
      %swap3A = arith.index_cast %mul3A_20 : i32 to index
      %swap3A_48 = arith.constant 0 : index
      %swap3A_49 = tpu.vector_load %arg8[%swap3A, %swap3A_48] {strides = array<i32>} : memref<32x16xi32, #tpu.memory_space<vmem>>, vector<16xi32>,
      tpu.vector_store %arg8[%swap3A, %swap3A_48], %scan3A_46#1 {strides = array<i32>} : memref<32x16xi32, #tpu.memory_space<vmem>>, vector<16xi32>,
      %add3A_50 = arith.constant 2 : i32
      %add3A_51 = arith.addi %mul3A_20, %add3A_50 : i32
      %min3A = arith.constant 31 : i32
      %min3A_52 = arith.minsi %add3A_51, %min3A : i32
      %add3A_53 = arith.addi %mul3A_2, %min3A_52 : i32
      %dma_start3A_54 = arith.constant 0 : i32
      %dma_start3A_55 = tpu.memref_slice %arg2[%add3A_53, %dma_start3A_54] : memref<1024x4096xf32, #tpu.memory_space<hbm>> -> memref<1x4096xf32, #tpu.memory_space<hbm>>
      %dma_start3A_56 = tpu.memref_squeeze %dma_start3A_55 : memref<1x4096xf32, #tpu.memory_space<hbm>> -> memref<4096xf32, #tpu.memory_space<hbm>>
      %dma_start3A_57 = arith.constant 0 : i32
      %dma_start3A_58 = tpu.memref_slice %arg2[%add3A_53, %dma_start3A_57] : memref<1024x4096xf32, #tpu.memory_space<hbm>> -> memref<1x4096xf32, #tpu.memory_space<hbm>>
      %dma_start3A_59 = tpu.memref_squeeze %dma_start3A_58 : memref<1x4096xf32, #tpu.memory_space<hbm>> -> memref<4096xf32, #tpu.memory_space<hbm>>
      tpu.enqueue_dma source(%dma_start3A_59 : memref<4096xf32, #tpu.memory_space<hbm>>) target(%arg5 : memref<4096xf32, #tpu.memory_space<vmem>>) target_semaphore(%arg9 : memref<!tpu.dma_semaphore, #tpu.memory_space<semaphore_mem>>)
      %dma_wait3A_60 = arith.constant 0 : i32
      %dma_wait3A_61 = tpu.memref_slice %arg2[%mul3A_2, %dma_wait3A_60] : memref<1024x4096xf32, #tpu.memory_space<hbm>> -> memref<1x4096xf32, #tpu.memory_space<hbm>>
      %dma_wait3A_62 = tpu.memref_squeeze %dma_wait3A_61 : memref<1x4096xf32, #tpu.memory_space<hbm>> -> memref<4096xf32, #tpu.memory_space<hbm>>
      %dma_wait3A_63 = arith.constant 0 : i32
      %dma_wait3A_64 = tpu.memref_slice %arg2[%mul3A_2, %dma_wait3A_63] : memref<1024x4096xf32, #tpu.memory_space<hbm>> -> memref<1x4096xf32, #tpu.memory_space<hbm>>
      %dma_wait3A_65 = tpu.memref_squeeze %dma_wait3A_64 : memref<1x4096xf32, #tpu.memory_space<hbm>> -> memref<4096xf32, #tpu.memory_space<hbm>>
      tpu.wait_dma2 semaphore(%arg10 : memref<!tpu.dma_semaphore, #tpu.memory_space<semaphore_mem>>) src(%dma_wait3A_65 : memref<4096xf32, #tpu.memory_space<hbm>>) dst(%arg6 : memref<4096xf32, #tpu.memory_space<vmem>>)
      %mul3A_66 = arith.constant 256 : i32
      %mul3A_67 = vector.broadcast %mul3A_66 : i32 to vector<16xi32>
      %mul3A_68 = arith.muli %mul3A_67, %iota3A : vector<16xi32>
      %gather3A_69 = tpu.vector_load_idx %arg6[%mul3A_68] : memref<4096xf32, #tpu.memory_space<vmem>>[vector<16xi32>], vector<16xf32>,
      %masked_sort3A_70 = arith.constant dense<true> : vector<16xi1>
      %masked_sort3A_71, %masked_sort3A_72, %masked_sort3A_73 = tpu.sort %gather3A_69, %mul3A_68 masked %masked_sort3A_70 : (vector<16xf32>, vector<16xi32>, vector<16xi1>) -> (vector<16xi1>, vector<16xf32>, vector<16xi32>)
      %slice3A_74 = vector.extract_strided_slice %masked_sort3A_72 {offsets = [15], sizes = [1], strides = [1]} : vector<16xf32> to vector<1xf32>
      %squeeze3A_75 = vector.extract %slice3A_74[0] : f32 from vector<1xf32>
      %scan3A_76 = arith.constant 0 : i32
      %scan3A_77 = arith.constant 16 : i32
      %scan3A_78 = arith.addi %scan3A_76, %scan3A_77 : i32
      %scan3A_79 = arith.constant 1 : i32
      %scan3A_80:3 = scf.for %scan3A_85 = %scan3A_76 to %scan3A_78 step %scan3A_79 iter_args(%scan3A_86 = %masked_sort3A_72, %scan3A_87 = %masked_sort3A_73, %scan3A_88 = %squeeze3A_75) -> (vector<16xf32>, vector<16xi32>, f32)  : i32 {
        %mul3A_89 = arith.constant 16 : i32
        %mul3A_90 = arith.muli %scan3A_85, %mul3A_89 : i32
        %get3A = arith.index_cast %add3A_22 : i32 to index
        %get3A_91 = arith.index_cast %mul3A_90 : i32 to index
        %get3A_92 = tpu.vector_load %arg7[%get3A, %get3A_91] {strides = array<i32>} : memref<32x256xf32, #tpu.memory_space<vmem>>, vector<16xf32>,
        %le3A = vector.broadcast %scan3A_88 : f32 to vector<16xf32>
        %le3A_93 = arith.cmpf ole, %get3A_92, %le3A : vector<16xf32>
        %gt3A = arith.constant 0 : i32
        %gt3A_94 = arith.cmpi sgt, %scan3A_85, %gt3A : i32
        %gt3A_95 = arith.constant 0 : i32
        %gt3A_96 = vector.broadcast %gt3A_95 : i32 to vector<16xi32>
        %gt3A_97 = arith.cmpi sgt, %iota3A, %gt3A_96 : vector<16xi32>
        %or3A = vector.broadcast %gt3A_94 : i1 to vector<16xi1>
        %or3A_98 = arith.ori %or3A, %gt3A_97 : vector<16xi1>
        %and3A = arith.andi %le3A_93, %or3A_98 : vector<16xi1>
        %while3A:4 = scf.while (%while3A_99 = %and3A, %while3A_100 = %scan3A_86, %while3A_101 = %scan3A_87, %while3A_102 = %scan3A_88) : (vector<16xi1>, vector<16xf32>, vector<16xi32>, f32) -> (vector<16xi1>, vector<16xf32>, vector<16xi32>, f32) {
          %all_reduce_population_count3A = tpu.all_reduce %while3A_99 {dim = 0 : i64, kind = #tpu.reduction_kind<sum>} : vector<16xi1> -> vector<16xi32>
          %slice3A_103 = vector.extract_strided_slice %all_reduce_population_count3A {offsets = [0], sizes = [1], strides = [1]} : vector<16xi32> to vector<1xi32>
          %squeeze3A_104 = vector.extract %slice3A_103[0] : i32 from vector<1xi32>
          %gt3A_105 = arith.constant 0 : i32
          %gt3A_106 = arith.cmpi sgt, %squeeze3A_104, %gt3A_105 : i32
          scf.condition(%gt3A_106) %while3A_99, %while3A_100, %while3A_101, %while3A_102 : vector<16xi1>, vector<16xf32>, vector<16xi32>, f32
        } do {
        ^bb0(%while3A_99: vector<16xi1>, %while3A_100: vector<16xf32>, %while3A_101: vector<16xi32>, %while3A_102: f32):
          %all_reduce_ffs3A = tpu.all_reduce %while3A_99 {dim = 0 : i64, kind = #tpu.reduction_kind<find_first_set>} : vector<16xi1> -> vector<16xi32>
          %slice3A_103 = vector.extract_strided_slice %all_reduce_ffs3A {offsets = [0], sizes = [1], strides = [1]} : vector<16xi32> to vector<1xi32>
          %squeeze3A_104 = vector.extract %slice3A_103[0] : i32 from vector<1xi32>
          %mul3A_105 = arith.constant 16 : i32
          %mul3A_106 = arith.muli %scan3A_85, %mul3A_105 : i32
          %add3A_107 = arith.addi %mul3A_106, %squeeze3A_104 : i32
          %mul3A_108 = arith.constant 256 : i32
          %mul3A_109 = vector.broadcast %mul3A_108 : i32 to vector<16xi32>
          %mul3A_110 = arith.muli %mul3A_109, %iota3A : vector<16xi32>
          %add3A_111 = vector.broadcast %add3A_107 : i32 to vector<16xi32>
          %add3A_112 = arith.addi %add3A_111, %mul3A_110 : vector<16xi32>
          %gather3A_113 = tpu.vector_load_idx %arg6[%add3A_112] : memref<4096xf32, #tpu.memory_space<vmem>>[vector<16xi32>], vector<16xf32>,
          %masked_sort3A_114 = arith.constant dense<true> : vector<16xi1>
          %masked_sort3A_115, %masked_sort3A_116, %masked_sort3A_117 = tpu.sort %gather3A_113, %add3A_112 masked %masked_sort3A_114 : (vector<16xf32>, vector<16xi32>, vector<16xi1>) -> (vector<16xi1>, vector<16xf32>, vector<16xi32>)
          %rev3A = arith.constant 15 : i32
          %rev3A_118 = vector.broadcast %rev3A : i32 to vector<16xi32>
          %rev3A_119 = tpu.iota {dimensions = array<i32: 0>} : vector<16xi32>
          %rev3A_120 = arith.subi %rev3A_118, %rev3A_119 : vector<16xi32>
          %rev3A_121 = tpu.dynamic_gather %while3A_100[%rev3A_120] in [0] : vector<16xf32>, vector<16xi32> -> vector<16xf32>
          %rev3A_122 = arith.constant 15 : i32
          %rev3A_123 = vector.broadcast %rev3A_122 : i32 to vector<16xi32>
          %rev3A_124 = tpu.iota {dimensions = array<i32: 0>} : vector<16xi32>
          %rev3A_125 = arith.subi %rev3A_123, %rev3A_124 : vector<16xi32>
          %rev3A_126 = tpu.dynamic_gather %while3A_101[%rev3A_125] in [0] : vector<16xi32>, vector<16xi32> -> vector<16xi32>
          %lt3A = arith.cmpf olt, %masked_sort3A_116, %rev3A_121 : vector<16xf32>
          %eq3A = arith.cmpf oeq, %masked_sort3A_116, %rev3A_121 : vector<16xf32>
          %lt3A_127 = arith.cmpi slt, %masked_sort3A_117, %rev3A_126 : vector<16xi32>
          %and3A_128 = arith.andi %eq3A, %lt3A_127 : vector<16xi1>
          %or3A_129 = arith.ori %lt3A, %and3A_128 : vector<16xi1>
          %select_n3A = arith.select %or3A_129, %masked_sort3A_116, %rev3A_121 : vector<16xi1>, vector<16xf32>
          %select_n3A_130 = arith.select %or3A_129, %masked_sort3A_117, %rev3A_126 : vector<16xi1>, vector<16xi32>
          %masked_sort3A_131 = arith.constant dense<true> : vector<16xi1>
          %masked_sort3A_132, %masked_sort3A_133, %masked_sort3A_134 = tpu.sort %select_n3A, %select_n3A_130 masked %masked_sort3A_131 : (vector<16xf32>, vector<16xi32>, vector<16xi1>) -> (vector<16xi1>, vector<16xf32>, vector<16xi32>)
          %slice3A_135 = vector.extract_strided_slice %masked_sort3A_133 {offsets = [15], sizes = [1], strides = [1]} : vector<16xf32> to vector<1xf32>
          %squeeze3A_136 = vector.extract %slice3A_135[0] : f32 from vector<1xf32>
          %ne3A = vector.broadcast %squeeze3A_104 : i32 to vector<16xi32>
          %ne3A_137 = arith.cmpi ne, %iota3A, %ne3A : vector<16xi32>
          %and3A_138 = arith.andi %while3A_99, %ne3A_137 : vector<16xi1>
          %le3A_139 = vector.broadcast %squeeze3A_136 : f32 to vector<16xf32>
          %le3A_140 = arith.cmpf ole, %get3A_92, %le3A_139 : vector<16xf32>
          %and3A_141 = arith.andi %and3A_138, %le3A_140 : vector<16xi1>
          scf.yield %and3A_141, %masked_sort3A_133, %masked_sort3A_134, %squeeze3A_136 : vector<16xi1>, vector<16xf32>, vector<16xi32>, f32
        }
        scf.yield %while3A#1, %while3A#2, %while3A#3 : vector<16xf32>, vector<16xi32>, f32
      }
      %scan3A_81 = arith.constant 16 : i32
      %swap3A_82 = arith.index_cast %add3A_22 : i32 to index
      %swap3A_83 = arith.constant 0 : index
      %swap3A_84 = tpu.vector_load %arg8[%swap3A_82, %swap3A_83] {strides = array<i32>} : memref<32x16xi32, #tpu.memory_space<vmem>>, vector<16xi32>,
      tpu.vector_store %arg8[%swap3A_82, %swap3A_83], %scan3A_80#1 {strides = array<i32>} : memref<32x16xi32, #tpu.memory_space<vmem>>, vector<16xi32>,
    }
    %scan3A_12 = arith.constant 16 : i32
    %dma_wait3A = arith.constant 0 : i32
    %dma_wait3A_13 = tpu.memref_slice %arg2[%mul3A_2, %dma_wait3A] : memref<1024x4096xf32, #tpu.memory_space<hbm>> -> memref<1x4096xf32, #tpu.memory_space<hbm>>
    %dma_wait3A_14 = tpu.memref_squeeze %dma_wait3A_13 : memref<1x4096xf32, #tpu.memory_space<hbm>> -> memref<4096xf32, #tpu.memory_space<hbm>>
    %dma_wait3A_15 = arith.constant 0 : i32
    %dma_wait3A_16 = tpu.memref_slice %arg2[%mul3A_2, %dma_wait3A_15] : memref<1024x4096xf32, #tpu.memory_space<hbm>> -> memref<1x4096xf32, #tpu.memory_space<hbm>>
    %dma_wait3A_17 = tpu.memref_squeeze %dma_wait3A_16 : memref<1x4096xf32, #tpu.memory_space<hbm>> -> memref<4096xf32, #tpu.memory_space<hbm>>
    tpu.wait_dma2 semaphore(%arg9 : memref<!tpu.dma_semaphore, #tpu.memory_space<semaphore_mem>>) src(%dma_wait3A_17 : memref<4096xf32, #tpu.memory_space<hbm>>) dst(%arg5 : memref<4096xf32, #tpu.memory_space<vmem>>)
    "tpu.region"() ({
      %run_scoped3A = tpu.sem_alloc : memref<!tpu.dma_semaphore, #tpu.memory_space<semaphore_mem>>
      %dma_start3A_18 = arith.constant 0 : i32
      %dma_start3A_19 = tpu.memref_slice %arg4[%mul3A_2, %dma_start3A_18] : memref<1024x16xi32, #tpu.memory_space<hbm>> -> memref<32x16xi32, #tpu.memory_space<hbm>>
      %dma_start3A_20 = arith.constant 0 : i32
      %dma_start3A_21 = tpu.memref_slice %arg4[%mul3A_2, %dma_start3A_20] : memref<1024x16xi32, #tpu.memory_space<hbm>> -> memref<32x16xi32, #tpu.memory_space<hbm>>
      tpu.enqueue_dma source(%arg8 : memref<32x16xi32, #tpu.memory_space<vmem>>) target(%dma_start3A_21 : memref<32x16xi32, #tpu.memory_space<hbm>>) target_semaphore(%run_scoped3A : memref<!tpu.dma_semaphore, #tpu.memory_space<semaphore_mem>>)
      %dma_wait3A_22 = arith.constant 0 : i32
      %dma_wait3A_23 = tpu.memref_slice %arg4[%mul3A_2, %dma_wait3A_22] : memref<1024x16xi32, #tpu.memory_space<hbm>> -> memref<32x16xi32, #tpu.memory_space<hbm>>
      %dma_wait3A_24 = arith.constant 0 : i32
      %dma_wait3A_25 = tpu.memref_slice %arg4[%mul3A_2, %dma_wait3A_24] : memref<1024x16xi32, #tpu.memory_space<hbm>> -> memref<32x16xi32, #tpu.memory_space<hbm>>
      tpu.wait_dma2 semaphore(%run_scoped3A : memref<!tpu.dma_semaphore, #tpu.memory_space<semaphore_mem>>) src(%arg8 : memref<32x16xi32, #tpu.memory_space<vmem>>) dst(%dma_wait3A_25 : memref<32x16xi32, #tpu.memory_space<hbm>>)
      tpu.yield
    }) : () -> ()
    return
  }
}

module attributes {stable_mosaic.version = 14 : i64} {
  func.func @_dist_body(%arg0: i32, %arg1: memref<512x8xf32, #tpu.memory_space<vmem>>, %arg2: memref<8x4096xf32, #tpu.memory_space<vmem>>, %arg3: memref<512x1xf32, #tpu.memory_space<vmem>>, %arg4: memref<1x4096xf32, #tpu.memory_space<vmem>>, %arg5: memref<512x4096xf32, #tpu.memory_space<vmem>>, %arg6: memref<512x256xf32, #tpu.memory_space<vmem>>) attributes {dimension_semantics = [#tpu.dimension_semantics<arbitrary>], iteration_bounds = array<i64: 2>, scalar_prefetch = 0 : i64, scratch_operands = 0 : i64, tpu.core_type = #tpu.core_type<tc>, window_params = [{transform_indices = @transform_0, window_bounds = array<i64: 512, 8>}, {pipeline_mode = #tpu.pipeline_mode<synchronous>, transform_indices = @transform_1, window_bounds = array<i64: 8, 4096>}, {transform_indices = @transform_2, window_bounds = array<i64: 512, 1>}, {pipeline_mode = #tpu.pipeline_mode<synchronous>, transform_indices = @transform_3, window_bounds = array<i64: 1, 4096>}, {transform_indices = @transform_4, window_bounds = array<i64: 512, 4096>}, {transform_indices = @transform_5, window_bounds = array<i64: 512, 256>}]} {
    %get3A = arith.constant 0 : index
    %get3A_0 = arith.constant 0 : index
    %get3A_1 = vector.load %arg1[%get3A, %get3A_0] : memref<512x8xf32, #tpu.memory_space<vmem>>, vector<512x8xf32>
    %get3A_2 = arith.constant 0 : index
    %get3A_3 = arith.constant 0 : index
    %get3A_4 = vector.load %arg2[%get3A_2, %get3A_3] : memref<8x4096xf32, #tpu.memory_space<vmem>>, vector<8x4096xf32>
    %get3A_5 = arith.constant 0 : index
    %get3A_6 = arith.constant 0 : index
    %get3A_7 = vector.load %arg3[%get3A_5, %get3A_6] : memref<512x1xf32, #tpu.memory_space<vmem>>, vector<512x1xf32>
    %get3A_8 = arith.constant 0 : index
    %get3A_9 = arith.constant 0 : index
    %get3A_10 = vector.load %arg4[%get3A_8, %get3A_9] : memref<1x4096xf32, #tpu.memory_space<vmem>>, vector<1x4096xf32>
    %dot_general3A = arith.constant dense<0.000000e+00> : vector<512x4096xf32>
    %dot_general3A_11 = tpu.matmul %get3A_1, %get3A_4, %dot_general3A {dimension_numbers = #tpu.dot_dimension_numbers<[1], [0], [0], [1], [0, 0, 1, 1], [], []>, transpose_lhs_hint = false} : vector<512x8xf32>, vector<8x4096xf32>, vector<512x4096xf32> -> vector<512x4096xf32>
    %mul3A = arith.constant -2.000000e+00 : f32
    %mul3A_12 = vector.broadcast %mul3A : f32 to vector<512x4096xf32>
    %mul3A_13 = arith.mulf %mul3A_12, %dot_general3A_11 : vector<512x4096xf32>
    %add3A = vector.broadcast %get3A_7 : vector<512x1xf32> to vector<512x4096xf32>
    %add3A_14 = arith.addf %mul3A_13, %add3A : vector<512x4096xf32>
    %add3A_15 = vector.broadcast %get3A_10 : vector<1x4096xf32> to vector<512x4096xf32>
    %add3A_16 = arith.addf %add3A_14, %add3A_15 : vector<512x4096xf32>
    %swap3A = arith.constant 0 : index
    %swap3A_17 = arith.constant 0 : index
    %swap3A_18 = vector.load %arg5[%swap3A, %swap3A_17] : memref<512x4096xf32, #tpu.memory_space<vmem>>, vector<512x4096xf32>
    tpu.vector_store %arg5[%swap3A, %swap3A_17], %add3A_16 {strides = array<i32>} : memref<512x4096xf32, #tpu.memory_space<vmem>>, vector<512x4096xf32>,
    %slice3A = vector.extract_strided_slice %add3A_16 {offsets = [0, 0], sizes = [512, 256], strides = [1, 1]} : vector<512x4096xf32> to vector<512x256xf32>
    %slice3A_19 = vector.extract_strided_slice %add3A_16 {offsets = [0, 256], sizes = [512, 256], strides = [1, 1]} : vector<512x4096xf32> to vector<512x256xf32>
    %min3A = arith.minimumf %slice3A, %slice3A_19 : vector<512x256xf32>
    %slice3A_20 = vector.extract_strided_slice %add3A_16 {offsets = [0, 512], sizes = [512, 256], strides = [1, 1]} : vector<512x4096xf32> to vector<512x256xf32>
    %min3A_21 = arith.minimumf %min3A, %slice3A_20 : vector<512x256xf32>
    %slice3A_22 = vector.extract_strided_slice %add3A_16 {offsets = [0, 768], sizes = [512, 256], strides = [1, 1]} : vector<512x4096xf32> to vector<512x256xf32>
    %min3A_23 = arith.minimumf %min3A_21, %slice3A_22 : vector<512x256xf32>
    %slice3A_24 = vector.extract_strided_slice %add3A_16 {offsets = [0, 1024], sizes = [512, 256], strides = [1, 1]} : vector<512x4096xf32> to vector<512x256xf32>
    %min3A_25 = arith.minimumf %min3A_23, %slice3A_24 : vector<512x256xf32>
    %slice3A_26 = vector.extract_strided_slice %add3A_16 {offsets = [0, 1280], sizes = [512, 256], strides = [1, 1]} : vector<512x4096xf32> to vector<512x256xf32>
    %min3A_27 = arith.minimumf %min3A_25, %slice3A_26 : vector<512x256xf32>
    %slice3A_28 = vector.extract_strided_slice %add3A_16 {offsets = [0, 1536], sizes = [512, 256], strides = [1, 1]} : vector<512x4096xf32> to vector<512x256xf32>
    %min3A_29 = arith.minimumf %min3A_27, %slice3A_28 : vector<512x256xf32>
    %slice3A_30 = vector.extract_strided_slice %add3A_16 {offsets = [0, 1792], sizes = [512, 256], strides = [1, 1]} : vector<512x4096xf32> to vector<512x256xf32>
    %min3A_31 = arith.minimumf %min3A_29, %slice3A_30 : vector<512x256xf32>
    %slice3A_32 = vector.extract_strided_slice %add3A_16 {offsets = [0, 2048], sizes = [512, 256], strides = [1, 1]} : vector<512x4096xf32> to vector<512x256xf32>
    %min3A_33 = arith.minimumf %min3A_31, %slice3A_32 : vector<512x256xf32>
    %slice3A_34 = vector.extract_strided_slice %add3A_16 {offsets = [0, 2304], sizes = [512, 256], strides = [1, 1]} : vector<512x4096xf32> to vector<512x256xf32>
    %min3A_35 = arith.minimumf %min3A_33, %slice3A_34 : vector<512x256xf32>
    %slice3A_36 = vector.extract_strided_slice %add3A_16 {offsets = [0, 2560], sizes = [512, 256], strides = [1, 1]} : vector<512x4096xf32> to vector<512x256xf32>
    %min3A_37 = arith.minimumf %min3A_35, %slice3A_36 : vector<512x256xf32>
    %slice3A_38 = vector.extract_strided_slice %add3A_16 {offsets = [0, 2816], sizes = [512, 256], strides = [1, 1]} : vector<512x4096xf32> to vector<512x256xf32>
    %min3A_39 = arith.minimumf %min3A_37, %slice3A_38 : vector<512x256xf32>
    %slice3A_40 = vector.extract_strided_slice %add3A_16 {offsets = [0, 3072], sizes = [512, 256], strides = [1, 1]} : vector<512x4096xf32> to vector<512x256xf32>
    %min3A_41 = arith.minimumf %min3A_39, %slice3A_40 : vector<512x256xf32>
    %slice3A_42 = vector.extract_strided_slice %add3A_16 {offsets = [0, 3328], sizes = [512, 256], strides = [1, 1]} : vector<512x4096xf32> to vector<512x256xf32>
    %min3A_43 = arith.minimumf %min3A_41, %slice3A_42 : vector<512x256xf32>
    %slice3A_44 = vector.extract_strided_slice %add3A_16 {offsets = [0, 3584], sizes = [512, 256], strides = [1, 1]} : vector<512x4096xf32> to vector<512x256xf32>
    %min3A_45 = arith.minimumf %min3A_43, %slice3A_44 : vector<512x256xf32>
    %slice3A_46 = vector.extract_strided_slice %add3A_16 {offsets = [0, 3840], sizes = [512, 256], strides = [1, 1]} : vector<512x4096xf32> to vector<512x256xf32>
    %min3A_47 = arith.minimumf %min3A_45, %slice3A_46 : vector<512x256xf32>
    %swap3A_48 = arith.constant 0 : index
    %swap3A_49 = arith.constant 0 : index
    %swap3A_50 = vector.load %arg6[%swap3A_48, %swap3A_49] : memref<512x256xf32, #tpu.memory_space<vmem>>, vector<512x256xf32>
    tpu.vector_store %arg6[%swap3A_48, %swap3A_49], %min3A_47 {strides = array<i32>} : memref<512x256xf32, #tpu.memory_space<vmem>>, vector<512x256xf32>,
    return
  }
  func.func @transform_0(%arg0: i32) -> (i32, i32) {
    %add3A = arith.constant 6 : i32
    %add3A_0 = arith.addi %arg0, %add3A : i32
    %c0_i32 = arith.constant 0 : i32
    %c0_i32_1 = arith.constant 0 : i32
    return %add3A_0, %c0_i32 : i32, i32
  }
  func.func @transform_1(%arg0: i32) -> (i32, i32) {
    %c0_i32 = arith.constant 0 : i32
    %c0_i32_0 = arith.constant 0 : i32
    %c0_i32_1 = arith.constant 0 : i32
    return %c0_i32, %c0_i32_0 : i32, i32
  }
  func.func @transform_2(%arg0: i32) -> (i32, i32) {
    %add3A = arith.constant 6 : i32
    %add3A_0 = arith.addi %arg0, %add3A : i32
    %c0_i32 = arith.constant 0 : i32
    %c0_i32_1 = arith.constant 0 : i32
    return %add3A_0, %c0_i32 : i32, i32
  }
  func.func @transform_3(%arg0: i32) -> (i32, i32) {
    %c0_i32 = arith.constant 0 : i32
    %c0_i32_0 = arith.constant 0 : i32
    %c0_i32_1 = arith.constant 0 : i32
    return %c0_i32, %c0_i32_0 : i32, i32
  }
  func.func @transform_4(%arg0: i32) -> (i32, i32) {
    %c0_i32 = arith.constant 0 : i32
    %c0_i32_0 = arith.constant 0 : i32
    return %arg0, %c0_i32 : i32, i32
  }
  func.func @transform_5(%arg0: i32) -> (i32, i32) {
    %c0_i32 = arith.constant 0 : i32
    %c0_i32_0 = arith.constant 0 : i32
    return %arg0, %c0_i32 : i32, i32
  }
}

module attributes {stable_mosaic.version = 14 : i64} {
  func.func @_select_body(%arg0: i32, %arg1: memref<512x8xf32, #tpu.memory_space<vmem>>, %arg2: memref<8x4096xf32, #tpu.memory_space<vmem>>, %arg3: memref<512x1xf32, #tpu.memory_space<vmem>>, %arg4: memref<1x4096xf32, #tpu.memory_space<vmem>>, %arg5: memref<512x16xi32, #tpu.memory_space<vmem>>) attributes {dimension_semantics = [#tpu.dimension_semantics<arbitrary>], iteration_bounds = array<i64: 6>, scalar_prefetch = 0 : i64, scratch_operands = 0 : i64, tpu.core_type = #tpu.core_type<tc>, window_params = [{transform_indices = @transform_0, window_bounds = array<i64: 512, 8>}, {pipeline_mode = #tpu.pipeline_mode<synchronous>, transform_indices = @transform_1, window_bounds = array<i64: 8, 4096>}, {transform_indices = @transform_2, window_bounds = array<i64: 512, 1>}, {pipeline_mode = #tpu.pipeline_mode<synchronous>, transform_indices = @transform_3, window_bounds = array<i64: 1, 4096>}, {transform_indices = @transform_4, window_bounds = array<i64: 512, 16>}]} {
    %get3A = arith.constant 0 : index
    %get3A_0 = arith.constant 0 : index
    %get3A_1 = vector.load %arg1[%get3A, %get3A_0] : memref<512x8xf32, #tpu.memory_space<vmem>>, vector<512x8xf32>
    %get3A_2 = arith.constant 0 : index
    %get3A_3 = arith.constant 0 : index
    %get3A_4 = vector.load %arg2[%get3A_2, %get3A_3] : memref<8x4096xf32, #tpu.memory_space<vmem>>, vector<8x4096xf32>
    %get3A_5 = arith.constant 0 : index
    %get3A_6 = arith.constant 0 : index
    %get3A_7 = vector.load %arg3[%get3A_5, %get3A_6] : memref<512x1xf32, #tpu.memory_space<vmem>>, vector<512x1xf32>
    %get3A_8 = arith.constant 0 : index
    %get3A_9 = arith.constant 0 : index
    %get3A_10 = vector.load %arg4[%get3A_8, %get3A_9] : memref<1x4096xf32, #tpu.memory_space<vmem>>, vector<1x4096xf32>
    %dot_general3A = arith.constant dense<0.000000e+00> : vector<512x4096xf32>
    %dot_general3A_11 = tpu.matmul %get3A_1, %get3A_4, %dot_general3A {dimension_numbers = #tpu.dot_dimension_numbers<[1], [0], [0], [1], [0, 0, 1, 1], [], []>, transpose_lhs_hint = false} : vector<512x8xf32>, vector<8x4096xf32>, vector<512x4096xf32> -> vector<512x4096xf32>
    %mul3A = arith.constant -2.000000e+00 : f32
    %mul3A_12 = vector.broadcast %mul3A : f32 to vector<512x4096xf32>
    %mul3A_13 = arith.mulf %mul3A_12, %dot_general3A_11 : vector<512x4096xf32>
    %add3A = vector.broadcast %get3A_7 : vector<512x1xf32> to vector<512x4096xf32>
    %add3A_14 = arith.addf %mul3A_13, %add3A : vector<512x4096xf32>
    %add3A_15 = vector.broadcast %get3A_10 : vector<1x4096xf32> to vector<512x4096xf32>
    %add3A_16 = arith.addf %add3A_14, %add3A_15 : vector<512x4096xf32>
    %iota3A = tpu.iota {dimensions = array<i32: 1>} : vector<1x4096xi32>
    %argmin3A = tpu.reduce_index %add3A_16 {axis = 1 : i32, kind = #tpu.reduction_kind<arg_min>} : vector<512x4096xf32> -> vector<512xi32>
    %broadcast_in_dim3A = vector.shape_cast %argmin3A : vector<512xi32> to vector<512x1xi32>
    %swap3A = arith.constant 0 : index
    %swap3A_17 = arith.constant 0 : index
    %swap3A_18 = vector.load %arg5[%swap3A, %swap3A_17] : memref<512x16xi32, #tpu.memory_space<vmem>>, vector<512x1xi32>
    tpu.vector_store %arg5[%swap3A, %swap3A_17], %broadcast_in_dim3A {strides = array<i32>} : memref<512x16xi32, #tpu.memory_space<vmem>>, vector<512x1xi32>,
    %eq3A = vector.broadcast %iota3A : vector<1x4096xi32> to vector<512x4096xi32>
    %eq3A_19 = vector.broadcast %broadcast_in_dim3A : vector<512x1xi32> to vector<512x4096xi32>
    %eq3A_20 = arith.cmpi eq, %eq3A, %eq3A_19 : vector<512x4096xi32>
    %jit3A = arith.constant 0x7F800000 : f32
    %broadcast_in_dim3A_21 = vector.broadcast %jit3A : f32 to vector<512x4096xf32>
    %select_n3A = arith.select %eq3A_20, %broadcast_in_dim3A_21, %add3A_16 : vector<512x4096xi1>, vector<512x4096xf32>
    %argmin3A_22 = tpu.reduce_index %select_n3A {axis = 1 : i32, kind = #tpu.reduction_kind<arg_min>} : vector<512x4096xf32> -> vector<512xi32>
    %broadcast_in_dim3A_23 = vector.shape_cast %argmin3A_22 : vector<512xi32> to vector<512x1xi32>
    %swap3A_24 = arith.constant 0 : index
    %swap3A_25 = arith.constant 1 : index
    %swap3A_26 = vector.load %arg5[%swap3A_24, %swap3A_25] : memref<512x16xi32, #tpu.memory_space<vmem>>, vector<512x1xi32>
    tpu.vector_store %arg5[%swap3A_24, %swap3A_25], %broadcast_in_dim3A_23 {strides = array<i32>} : memref<512x16xi32, #tpu.memory_space<vmem>>, vector<512x1xi32>,
    %eq3A_27 = vector.broadcast %iota3A : vector<1x4096xi32> to vector<512x4096xi32>
    %eq3A_28 = vector.broadcast %broadcast_in_dim3A_23 : vector<512x1xi32> to vector<512x4096xi32>
    %eq3A_29 = arith.cmpi eq, %eq3A_27, %eq3A_28 : vector<512x4096xi32>
    %jit3A_30 = arith.constant 0x7F800000 : f32
    %broadcast_in_dim3A_31 = vector.broadcast %jit3A_30 : f32 to vector<512x4096xf32>
    %select_n3A_32 = arith.select %eq3A_29, %broadcast_in_dim3A_31, %select_n3A : vector<512x4096xi1>, vector<512x4096xf32>
    %argmin3A_33 = tpu.reduce_index %select_n3A_32 {axis = 1 : i32, kind = #tpu.reduction_kind<arg_min>} : vector<512x4096xf32> -> vector<512xi32>
    %broadcast_in_dim3A_34 = vector.shape_cast %argmin3A_33 : vector<512xi32> to vector<512x1xi32>
    %swap3A_35 = arith.constant 0 : index
    %swap3A_36 = arith.constant 2 : index
    %swap3A_37 = vector.load %arg5[%swap3A_35, %swap3A_36] : memref<512x16xi32, #tpu.memory_space<vmem>>, vector<512x1xi32>
    tpu.vector_store %arg5[%swap3A_35, %swap3A_36], %broadcast_in_dim3A_34 {strides = array<i32>} : memref<512x16xi32, #tpu.memory_space<vmem>>, vector<512x1xi32>,
    %eq3A_38 = vector.broadcast %iota3A : vector<1x4096xi32> to vector<512x4096xi32>
    %eq3A_39 = vector.broadcast %broadcast_in_dim3A_34 : vector<512x1xi32> to vector<512x4096xi32>
    %eq3A_40 = arith.cmpi eq, %eq3A_38, %eq3A_39 : vector<512x4096xi32>
    %jit3A_41 = arith.constant 0x7F800000 : f32
    %broadcast_in_dim3A_42 = vector.broadcast %jit3A_41 : f32 to vector<512x4096xf32>
    %select_n3A_43 = arith.select %eq3A_40, %broadcast_in_dim3A_42, %select_n3A_32 : vector<512x4096xi1>, vector<512x4096xf32>
    %argmin3A_44 = tpu.reduce_index %select_n3A_43 {axis = 1 : i32, kind = #tpu.reduction_kind<arg_min>} : vector<512x4096xf32> -> vector<512xi32>
    %broadcast_in_dim3A_45 = vector.shape_cast %argmin3A_44 : vector<512xi32> to vector<512x1xi32>
    %swap3A_46 = arith.constant 0 : index
    %swap3A_47 = arith.constant 3 : index
    %swap3A_48 = vector.load %arg5[%swap3A_46, %swap3A_47] : memref<512x16xi32, #tpu.memory_space<vmem>>, vector<512x1xi32>
    tpu.vector_store %arg5[%swap3A_46, %swap3A_47], %broadcast_in_dim3A_45 {strides = array<i32>} : memref<512x16xi32, #tpu.memory_space<vmem>>, vector<512x1xi32>,
    %eq3A_49 = vector.broadcast %iota3A : vector<1x4096xi32> to vector<512x4096xi32>
    %eq3A_50 = vector.broadcast %broadcast_in_dim3A_45 : vector<512x1xi32> to vector<512x4096xi32>
    %eq3A_51 = arith.cmpi eq, %eq3A_49, %eq3A_50 : vector<512x4096xi32>
    %jit3A_52 = arith.constant 0x7F800000 : f32
    %broadcast_in_dim3A_53 = vector.broadcast %jit3A_52 : f32 to vector<512x4096xf32>
    %select_n3A_54 = arith.select %eq3A_51, %broadcast_in_dim3A_53, %select_n3A_43 : vector<512x4096xi1>, vector<512x4096xf32>
    %argmin3A_55 = tpu.reduce_index %select_n3A_54 {axis = 1 : i32, kind = #tpu.reduction_kind<arg_min>} : vector<512x4096xf32> -> vector<512xi32>
    %broadcast_in_dim3A_56 = vector.shape_cast %argmin3A_55 : vector<512xi32> to vector<512x1xi32>
    %swap3A_57 = arith.constant 0 : index
    %swap3A_58 = arith.constant 4 : index
    %swap3A_59 = vector.load %arg5[%swap3A_57, %swap3A_58] : memref<512x16xi32, #tpu.memory_space<vmem>>, vector<512x1xi32>
    tpu.vector_store %arg5[%swap3A_57, %swap3A_58], %broadcast_in_dim3A_56 {strides = array<i32>} : memref<512x16xi32, #tpu.memory_space<vmem>>, vector<512x1xi32>,
    %eq3A_60 = vector.broadcast %iota3A : vector<1x4096xi32> to vector<512x4096xi32>
    %eq3A_61 = vector.broadcast %broadcast_in_dim3A_56 : vector<512x1xi32> to vector<512x4096xi32>
    %eq3A_62 = arith.cmpi eq, %eq3A_60, %eq3A_61 : vector<512x4096xi32>
    %jit3A_63 = arith.constant 0x7F800000 : f32
    %broadcast_in_dim3A_64 = vector.broadcast %jit3A_63 : f32 to vector<512x4096xf32>
    %select_n3A_65 = arith.select %eq3A_62, %broadcast_in_dim3A_64, %select_n3A_54 : vector<512x4096xi1>, vector<512x4096xf32>
    %argmin3A_66 = tpu.reduce_index %select_n3A_65 {axis = 1 : i32, kind = #tpu.reduction_kind<arg_min>} : vector<512x4096xf32> -> vector<512xi32>
    %broadcast_in_dim3A_67 = vector.shape_cast %argmin3A_66 : vector<512xi32> to vector<512x1xi32>
    %swap3A_68 = arith.constant 0 : index
    %swap3A_69 = arith.constant 5 : index
    %swap3A_70 = vector.load %arg5[%swap3A_68, %swap3A_69] : memref<512x16xi32, #tpu.memory_space<vmem>>, vector<512x1xi32>
    tpu.vector_store %arg5[%swap3A_68, %swap3A_69], %broadcast_in_dim3A_67 {strides = array<i32>} : memref<512x16xi32, #tpu.memory_space<vmem>>, vector<512x1xi32>,
    %eq3A_71 = vector.broadcast %iota3A : vector<1x4096xi32> to vector<512x4096xi32>
    %eq3A_72 = vector.broadcast %broadcast_in_dim3A_67 : vector<512x1xi32> to vector<512x4096xi32>
    %eq3A_73 = arith.cmpi eq, %eq3A_71, %eq3A_72 : vector<512x4096xi32>
    %jit3A_74 = arith.constant 0x7F800000 : f32
    %broadcast_in_dim3A_75 = vector.broadcast %jit3A_74 : f32 to vector<512x4096xf32>
    %select_n3A_76 = arith.select %eq3A_73, %broadcast_in_dim3A_75, %select_n3A_65 : vector<512x4096xi1>, vector<512x4096xf32>
    %argmin3A_77 = tpu.reduce_index %select_n3A_76 {axis = 1 : i32, kind = #tpu.reduction_kind<arg_min>} : vector<512x4096xf32> -> vector<512xi32>
    %broadcast_in_dim3A_78 = vector.shape_cast %argmin3A_77 : vector<512xi32> to vector<512x1xi32>
    %swap3A_79 = arith.constant 0 : index
    %swap3A_80 = arith.constant 6 : index
    %swap3A_81 = vector.load %arg5[%swap3A_79, %swap3A_80] : memref<512x16xi32, #tpu.memory_space<vmem>>, vector<512x1xi32>
    tpu.vector_store %arg5[%swap3A_79, %swap3A_80], %broadcast_in_dim3A_78 {strides = array<i32>} : memref<512x16xi32, #tpu.memory_space<vmem>>, vector<512x1xi32>,
    %eq3A_82 = vector.broadcast %iota3A : vector<1x4096xi32> to vector<512x4096xi32>
    %eq3A_83 = vector.broadcast %broadcast_in_dim3A_78 : vector<512x1xi32> to vector<512x4096xi32>
    %eq3A_84 = arith.cmpi eq, %eq3A_82, %eq3A_83 : vector<512x4096xi32>
    %jit3A_85 = arith.constant 0x7F800000 : f32
    %broadcast_in_dim3A_86 = vector.broadcast %jit3A_85 : f32 to vector<512x4096xf32>
    %select_n3A_87 = arith.select %eq3A_84, %broadcast_in_dim3A_86, %select_n3A_76 : vector<512x4096xi1>, vector<512x4096xf32>
    %argmin3A_88 = tpu.reduce_index %select_n3A_87 {axis = 1 : i32, kind = #tpu.reduction_kind<arg_min>} : vector<512x4096xf32> -> vector<512xi32>
    %broadcast_in_dim3A_89 = vector.shape_cast %argmin3A_88 : vector<512xi32> to vector<512x1xi32>
    %swap3A_90 = arith.constant 0 : index
    %swap3A_91 = arith.constant 7 : index
    %swap3A_92 = vector.load %arg5[%swap3A_90, %swap3A_91] : memref<512x16xi32, #tpu.memory_space<vmem>>, vector<512x1xi32>
    tpu.vector_store %arg5[%swap3A_90, %swap3A_91], %broadcast_in_dim3A_89 {strides = array<i32>} : memref<512x16xi32, #tpu.memory_space<vmem>>, vector<512x1xi32>,
    %eq3A_93 = vector.broadcast %iota3A : vector<1x4096xi32> to vector<512x4096xi32>
    %eq3A_94 = vector.broadcast %broadcast_in_dim3A_89 : vector<512x1xi32> to vector<512x4096xi32>
    %eq3A_95 = arith.cmpi eq, %eq3A_93, %eq3A_94 : vector<512x4096xi32>
    %jit3A_96 = arith.constant 0x7F800000 : f32
    %broadcast_in_dim3A_97 = vector.broadcast %jit3A_96 : f32 to vector<512x4096xf32>
    %select_n3A_98 = arith.select %eq3A_95, %broadcast_in_dim3A_97, %select_n3A_87 : vector<512x4096xi1>, vector<512x4096xf32>
    %argmin3A_99 = tpu.reduce_index %select_n3A_98 {axis = 1 : i32, kind = #tpu.reduction_kind<arg_min>} : vector<512x4096xf32> -> vector<512xi32>
    %broadcast_in_dim3A_100 = vector.shape_cast %argmin3A_99 : vector<512xi32> to vector<512x1xi32>
    %swap3A_101 = arith.constant 0 : index
    %swap3A_102 = arith.constant 8 : index
    %swap3A_103 = vector.load %arg5[%swap3A_101, %swap3A_102] : memref<512x16xi32, #tpu.memory_space<vmem>>, vector<512x1xi32>
    tpu.vector_store %arg5[%swap3A_101, %swap3A_102], %broadcast_in_dim3A_100 {strides = array<i32>} : memref<512x16xi32, #tpu.memory_space<vmem>>, vector<512x1xi32>,
    %eq3A_104 = vector.broadcast %iota3A : vector<1x4096xi32> to vector<512x4096xi32>
    %eq3A_105 = vector.broadcast %broadcast_in_dim3A_100 : vector<512x1xi32> to vector<512x4096xi32>
    %eq3A_106 = arith.cmpi eq, %eq3A_104, %eq3A_105 : vector<512x4096xi32>
    %jit3A_107 = arith.constant 0x7F800000 : f32
    %broadcast_in_dim3A_108 = vector.broadcast %jit3A_107 : f32 to vector<512x4096xf32>
    %select_n3A_109 = arith.select %eq3A_106, %broadcast_in_dim3A_108, %select_n3A_98 : vector<512x4096xi1>, vector<512x4096xf32>
    %argmin3A_110 = tpu.reduce_index %select_n3A_109 {axis = 1 : i32, kind = #tpu.reduction_kind<arg_min>} : vector<512x4096xf32> -> vector<512xi32>
    %broadcast_in_dim3A_111 = vector.shape_cast %argmin3A_110 : vector<512xi32> to vector<512x1xi32>
    %swap3A_112 = arith.constant 0 : index
    %swap3A_113 = arith.constant 9 : index
    %swap3A_114 = vector.load %arg5[%swap3A_112, %swap3A_113] : memref<512x16xi32, #tpu.memory_space<vmem>>, vector<512x1xi32>
    tpu.vector_store %arg5[%swap3A_112, %swap3A_113], %broadcast_in_dim3A_111 {strides = array<i32>} : memref<512x16xi32, #tpu.memory_space<vmem>>, vector<512x1xi32>,
    %eq3A_115 = vector.broadcast %iota3A : vector<1x4096xi32> to vector<512x4096xi32>
    %eq3A_116 = vector.broadcast %broadcast_in_dim3A_111 : vector<512x1xi32> to vector<512x4096xi32>
    %eq3A_117 = arith.cmpi eq, %eq3A_115, %eq3A_116 : vector<512x4096xi32>
    %jit3A_118 = arith.constant 0x7F800000 : f32
    %broadcast_in_dim3A_119 = vector.broadcast %jit3A_118 : f32 to vector<512x4096xf32>
    %select_n3A_120 = arith.select %eq3A_117, %broadcast_in_dim3A_119, %select_n3A_109 : vector<512x4096xi1>, vector<512x4096xf32>
    %argmin3A_121 = tpu.reduce_index %select_n3A_120 {axis = 1 : i32, kind = #tpu.reduction_kind<arg_min>} : vector<512x4096xf32> -> vector<512xi32>
    %broadcast_in_dim3A_122 = vector.shape_cast %argmin3A_121 : vector<512xi32> to vector<512x1xi32>
    %swap3A_123 = arith.constant 0 : index
    %swap3A_124 = arith.constant 10 : index
    %swap3A_125 = vector.load %arg5[%swap3A_123, %swap3A_124] : memref<512x16xi32, #tpu.memory_space<vmem>>, vector<512x1xi32>
    tpu.vector_store %arg5[%swap3A_123, %swap3A_124], %broadcast_in_dim3A_122 {strides = array<i32>} : memref<512x16xi32, #tpu.memory_space<vmem>>, vector<512x1xi32>,
    %eq3A_126 = vector.broadcast %iota3A : vector<1x4096xi32> to vector<512x4096xi32>
    %eq3A_127 = vector.broadcast %broadcast_in_dim3A_122 : vector<512x1xi32> to vector<512x4096xi32>
    %eq3A_128 = arith.cmpi eq, %eq3A_126, %eq3A_127 : vector<512x4096xi32>
    %jit3A_129 = arith.constant 0x7F800000 : f32
    %broadcast_in_dim3A_130 = vector.broadcast %jit3A_129 : f32 to vector<512x4096xf32>
    %select_n3A_131 = arith.select %eq3A_128, %broadcast_in_dim3A_130, %select_n3A_120 : vector<512x4096xi1>, vector<512x4096xf32>
    %argmin3A_132 = tpu.reduce_index %select_n3A_131 {axis = 1 : i32, kind = #tpu.reduction_kind<arg_min>} : vector<512x4096xf32> -> vector<512xi32>
    %broadcast_in_dim3A_133 = vector.shape_cast %argmin3A_132 : vector<512xi32> to vector<512x1xi32>
    %swap3A_134 = arith.constant 0 : index
    %swap3A_135 = arith.constant 11 : index
    %swap3A_136 = vector.load %arg5[%swap3A_134, %swap3A_135] : memref<512x16xi32, #tpu.memory_space<vmem>>, vector<512x1xi32>
    tpu.vector_store %arg5[%swap3A_134, %swap3A_135], %broadcast_in_dim3A_133 {strides = array<i32>} : memref<512x16xi32, #tpu.memory_space<vmem>>, vector<512x1xi32>,
    %eq3A_137 = vector.broadcast %iota3A : vector<1x4096xi32> to vector<512x4096xi32>
    %eq3A_138 = vector.broadcast %broadcast_in_dim3A_133 : vector<512x1xi32> to vector<512x4096xi32>
    %eq3A_139 = arith.cmpi eq, %eq3A_137, %eq3A_138 : vector<512x4096xi32>
    %jit3A_140 = arith.constant 0x7F800000 : f32
    %broadcast_in_dim3A_141 = vector.broadcast %jit3A_140 : f32 to vector<512x4096xf32>
    %select_n3A_142 = arith.select %eq3A_139, %broadcast_in_dim3A_141, %select_n3A_131 : vector<512x4096xi1>, vector<512x4096xf32>
    %argmin3A_143 = tpu.reduce_index %select_n3A_142 {axis = 1 : i32, kind = #tpu.reduction_kind<arg_min>} : vector<512x4096xf32> -> vector<512xi32>
    %broadcast_in_dim3A_144 = vector.shape_cast %argmin3A_143 : vector<512xi32> to vector<512x1xi32>
    %swap3A_145 = arith.constant 0 : index
    %swap3A_146 = arith.constant 12 : index
    %swap3A_147 = vector.load %arg5[%swap3A_145, %swap3A_146] : memref<512x16xi32, #tpu.memory_space<vmem>>, vector<512x1xi32>
    tpu.vector_store %arg5[%swap3A_145, %swap3A_146], %broadcast_in_dim3A_144 {strides = array<i32>} : memref<512x16xi32, #tpu.memory_space<vmem>>, vector<512x1xi32>,
    %eq3A_148 = vector.broadcast %iota3A : vector<1x4096xi32> to vector<512x4096xi32>
    %eq3A_149 = vector.broadcast %broadcast_in_dim3A_144 : vector<512x1xi32> to vector<512x4096xi32>
    %eq3A_150 = arith.cmpi eq, %eq3A_148, %eq3A_149 : vector<512x4096xi32>
    %jit3A_151 = arith.constant 0x7F800000 : f32
    %broadcast_in_dim3A_152 = vector.broadcast %jit3A_151 : f32 to vector<512x4096xf32>
    %select_n3A_153 = arith.select %eq3A_150, %broadcast_in_dim3A_152, %select_n3A_142 : vector<512x4096xi1>, vector<512x4096xf32>
    %argmin3A_154 = tpu.reduce_index %select_n3A_153 {axis = 1 : i32, kind = #tpu.reduction_kind<arg_min>} : vector<512x4096xf32> -> vector<512xi32>
    %broadcast_in_dim3A_155 = vector.shape_cast %argmin3A_154 : vector<512xi32> to vector<512x1xi32>
    %swap3A_156 = arith.constant 0 : index
    %swap3A_157 = arith.constant 13 : index
    %swap3A_158 = vector.load %arg5[%swap3A_156, %swap3A_157] : memref<512x16xi32, #tpu.memory_space<vmem>>, vector<512x1xi32>
    tpu.vector_store %arg5[%swap3A_156, %swap3A_157], %broadcast_in_dim3A_155 {strides = array<i32>} : memref<512x16xi32, #tpu.memory_space<vmem>>, vector<512x1xi32>,
    %eq3A_159 = vector.broadcast %iota3A : vector<1x4096xi32> to vector<512x4096xi32>
    %eq3A_160 = vector.broadcast %broadcast_in_dim3A_155 : vector<512x1xi32> to vector<512x4096xi32>
    %eq3A_161 = arith.cmpi eq, %eq3A_159, %eq3A_160 : vector<512x4096xi32>
    %jit3A_162 = arith.constant 0x7F800000 : f32
    %broadcast_in_dim3A_163 = vector.broadcast %jit3A_162 : f32 to vector<512x4096xf32>
    %select_n3A_164 = arith.select %eq3A_161, %broadcast_in_dim3A_163, %select_n3A_153 : vector<512x4096xi1>, vector<512x4096xf32>
    %argmin3A_165 = tpu.reduce_index %select_n3A_164 {axis = 1 : i32, kind = #tpu.reduction_kind<arg_min>} : vector<512x4096xf32> -> vector<512xi32>
    %broadcast_in_dim3A_166 = vector.shape_cast %argmin3A_165 : vector<512xi32> to vector<512x1xi32>
    %swap3A_167 = arith.constant 0 : index
    %swap3A_168 = arith.constant 14 : index
    %swap3A_169 = vector.load %arg5[%swap3A_167, %swap3A_168] : memref<512x16xi32, #tpu.memory_space<vmem>>, vector<512x1xi32>
    tpu.vector_store %arg5[%swap3A_167, %swap3A_168], %broadcast_in_dim3A_166 {strides = array<i32>} : memref<512x16xi32, #tpu.memory_space<vmem>>, vector<512x1xi32>,
    %eq3A_170 = vector.broadcast %iota3A : vector<1x4096xi32> to vector<512x4096xi32>
    %eq3A_171 = vector.broadcast %broadcast_in_dim3A_166 : vector<512x1xi32> to vector<512x4096xi32>
    %eq3A_172 = arith.cmpi eq, %eq3A_170, %eq3A_171 : vector<512x4096xi32>
    %jit3A_173 = arith.constant 0x7F800000 : f32
    %broadcast_in_dim3A_174 = vector.broadcast %jit3A_173 : f32 to vector<512x4096xf32>
    %select_n3A_175 = arith.select %eq3A_172, %broadcast_in_dim3A_174, %select_n3A_164 : vector<512x4096xi1>, vector<512x4096xf32>
    %argmin3A_176 = tpu.reduce_index %select_n3A_175 {axis = 1 : i32, kind = #tpu.reduction_kind<arg_min>} : vector<512x4096xf32> -> vector<512xi32>
    %broadcast_in_dim3A_177 = vector.shape_cast %argmin3A_176 : vector<512xi32> to vector<512x1xi32>
    %swap3A_178 = arith.constant 0 : index
    %swap3A_179 = arith.constant 15 : index
    %swap3A_180 = vector.load %arg5[%swap3A_178, %swap3A_179] : memref<512x16xi32, #tpu.memory_space<vmem>>, vector<512x1xi32>
    tpu.vector_store %arg5[%swap3A_178, %swap3A_179], %broadcast_in_dim3A_177 {strides = array<i32>} : memref<512x16xi32, #tpu.memory_space<vmem>>, vector<512x1xi32>,
    return
  }
  func.func @transform_0(%arg0: i32) -> (i32, i32) {
    %c0_i32 = arith.constant 0 : i32
    %c0_i32_0 = arith.constant 0 : i32
    return %arg0, %c0_i32 : i32, i32
  }
  func.func @transform_1(%arg0: i32) -> (i32, i32) {
    %c0_i32 = arith.constant 0 : i32
    %c0_i32_0 = arith.constant 0 : i32
    %c0_i32_1 = arith.constant 0 : i32
    return %c0_i32, %c0_i32_0 : i32, i32
  }
  func.func @transform_2(%arg0: i32) -> (i32, i32) {
    %c0_i32 = arith.constant 0 : i32
    %c0_i32_0 = arith.constant 0 : i32
    return %arg0, %c0_i32 : i32, i32
  }
  func.func @transform_3(%arg0: i32) -> (i32, i32) {
    %c0_i32 = arith.constant 0 : i32
    %c0_i32_0 = arith.constant 0 : i32
    %c0_i32_1 = arith.constant 0 : i32
    return %c0_i32, %c0_i32_0 : i32, i32
  }
  func.func @transform_4(%arg0: i32) -> (i32, i32) {
    %c0_i32 = arith.constant 0 : i32
    %c0_i32_0 = arith.constant 0 : i32
    return %arg0, %c0_i32 : i32, i32
  }
}

</mosaic_0001>

<sc_bundles>
// kernel: _knn16.5.cloned.1.call-start
scs
__scs_entry_jumppad:
0x0: {  	(pc) =	sbr.rel $0x88, $3  }
0x1: {  	(tag) =	ssettag $0x0;
	lr =	simm.s32 $0x1  }
0x2: {  	[smem:$0x3FA0] =	sst lr;
	_ =	strace $0xD0000000  }
0x3: {  	_ = 	snop  }
0x4: {  	_ = 	snop  }
0x5: {  	_ = 	snop  }
0x6: {  	_ = 	snop  }
0x7: {  	_ = 	snop  }
__scs_overlays_trampoline_lowered:
0x8: {  	[smem:$0x3FAF] =	sst s0  }
0x9: {  	[smem:$0x3FB0] =	sst s1  }
0xa: {  	[smem:$0x3FB1] =	sst s2  }
0xb: {  	[smem:$0x3FB2] =	sst s3  }
0xc: {  	[smem:$0x3FB3] =	sst s4  }
0xd: {  	[smem:$0x3FB4] =	sst s5  }
0xe: {  	[smem:$0x3FB5] =	sst s6  }
0xf: {  	[smem:$0x3FB6] =	sst s7  }
0x10: {  	[smem:$0x3FB7] =	sst s8  }
0x11: {  	[smem:$0x3FB8] =	sst s9;
	s0 =	simm.s32 @!p0 $0x0  }
0x12: {  	s1 =	sld [smem:$0x3F9E];
	s0 =	simm.s32 @p0 $0x1  }
0x13: {  	[smem:$0x3FB9] =	sst s0;
	s0 =	simm.s32 @!p1 $0x0  }
0x14: {  	s2 =	sld [smem:$0x3F9D];
	s0 =	simm.s32 @p1 $0x1  }
0x15: {  	[smem:$0x3FBA] =	sst s0;
	s0 =	simm.s32 @!p2 $0x0  }
0x16: {  	s3 =	sld [smem:$0x3FDB];
	s0 =	simm.s32 @p2 $0x1  }
0x17: {  	s4 =	simm.s32 $0x1BF5;
	[smem:$0x3FBC] =	sst s0  }
0x18: {  	s0 =	sld [smem:$0x3F9F];
	_ =	swait.ge [sflag:s4], $0x0  }
0x19: {  	s7 =	sld [smem:$0x3FA0]  }
0x1a: {  	s8 =	sadd.s32 $0xFFFFE003, lr  }
0x1b: {  	s9 =	sadd.s32 $0xFFFFFEF7, lr;
	s5 =	simm.s32 $0xFFFFFFFF;
	p2 =	slt.u32 s8, $0xFFFFF086  }
0x1c: {  	p1 =	slt.u32 s9, $0xF7A;
	s5 =	simm.s32 @!p2 $0x0  }
0x1d: {  	s5 =	simm.s32 @p1 $0x1;
	p0 =	seq.s32 s7, s2  }
0x1e: {  	s7 =	smul.u32 @!p0 $0xF7A, s2;
	p2 =	seq.s32 @!p0 s5, $0x0  }
0x1f: {  	s9 =	smul.u32 $0xF7A, s1;
	s8 =	simm.s32 @!p0 $0x1BF5;
	p2 =	por !p2, p0  }
0x20: {  	[sflag:s8] =	ssyncset.s32 @!p0 $0xFFFFF086;
	s6 =	sadd.s32 @!p0 s3, s7;
	s7 =	simm.s32 @!p0 $0x108  }
0x21: {  	s3 =	sadd.s32 s3, s9;
	s6 =	sadd.s32 @!p0 $0x88, s6;
	s7 =	simm.s32 @p2 $0x1082  }
0x22: {  	[simem:s7], [sflag:s8] =	dma.local @!p0 [hbm:s6], $0xF7A  }
0x23: {  	s9 =	sor.u32 $0xD0000000, s2;
	s6 =	simm.s32 $0x108;
	_ =	swait.ge @!p0 [sflag:s8], $0x0  }
0x24: {  	s3 =	sadd.s32 $0x88, s3;
	s6 =	simm.s32 @!p1 $0x1082;
	[sflag:s4] =	ssyncset.s32 $0xFFFFF086  }
0x25: {  	[simem:s6], [sflag:s4] =	dma.local [hbm:s3], $0xF7A  }
0x26: {  	[smem:$0x3FA0] =	sst s1;
	(tag) =	ssettag s2;
	_ =	strace s9  }
0x27: {  	s1 =	sld [smem:$0x3FB0]  }
0x28: {  	s2 =	sld [smem:$0x3FB1]  }
0x29: {  	s4 =	sld [smem:$0x3FB3]  }
0x2a: {  	p0 =	seq.s32 s5, $0x0;
	s5 =	sld [smem:$0x3FB4]  }
0x2b: {  	s6 =	sld [smem:$0x3FB5]  }
0x2c: {  	s7 =	sld [smem:$0x3FB6]  }
0x2d: {  	s3 =	simm.s32 $0x108;
	s8 =	sld [smem:$0x3FB7]  }
0x2e: {  	s3 =	simm.s32 @!p0 $0x1082;
	s9 =	sld [smem:$0x3FB8]  }
0x2f: {  	lr =	sadd.s32 s0, s3;
	s0 =	sld [smem:$0x3FAF]  }
0x30: {  	s3 =	sld [smem:$0x3FB2]  }
0x31: {  	[smem:$0x3FBB] =	sst s10  }
0x32: {  	s10 =	sld [smem:$0x3FB9];
	_ =	sdelay $0x3  }
0x33: {  	p0 =	seq.s32 s10, $0x1;
	s10 =	sld [smem:$0x3FBB];
	_ =	sdelay $0x3  }
0x34: {  	[smem:$0x3FBB] =	sst s10  }
0x35: {  	s10 =	sld [smem:$0x3FBA];
	_ =	sdelay $0x3  }
0x36: {  	p1 =	seq.s32 s10, $0x1;
	s10 =	sld [smem:$0x3FBB];
	_ =	sdelay $0x3  }
0x37: {  	[smem:$0x3FBB] =	sst s10  }
0x38: {  	s10 =	sld [smem:$0x3FBC]  }
0x39: {  	_ = 	snop;
	(pc) =	sbr.ind lr, $3  }
0x3a: {  	_ = 	snop  }
0x3b: {  	_ = 	snop  }
0x3c: {  	p2 =	seq.s32 s10, $0x1;
	s10 =	sld [smem:$0x3FBB]  }
0x3d: {  	_ =	shalt  }
0x3e: {  	_ =	shalt  }
0x3f: {  	_ =	shalt  }
0x40: {  	_ =	shalt  }
0x41: {  	_ =	shalt  }
0x42: {  	_ =	shalt  }
0x43: {  	_ =	shalt  }
0x44: {  	_ =	shalt  }
0x45: {  	_ =	shalt  }
0x46: {  	_ =	shalt  }
0x47: {  	_ =	shalt  }
0x48: {  	_ =	shalt  }
0x49: {  	_ =	shalt  }
0x4a: {  	_ =	shalt  }
0x4b: {  	_ =	shalt  }
0x4c: {  	_ =	shalt  }
0x4d: {  	_ =	shalt  }
0x4e: {  	_ =	shalt  }
0x4f: {  	_ =	shalt  }
0x50: {  	_ =	shalt  }
0x51: {  	_ =	shalt  }
0x52: {  	_ =	shalt  }
0x53: {  	_ =	shalt  }
0x54: {  	_ =	shalt  }
0x55: {  	_ =	shalt  }
0x56: {  	_ =	shalt  }
0x57: {  	_ =	shalt  }
0x58: {  	_ =	shalt  }
0x59: {  	_ =	shalt  }
0x5a: {  	_ =	shalt  }
0x5b: {  	_ =	shalt  }
0x5c: {  	_ =	shalt  }
0x5d: {  	_ =	shalt  }
0x5e: {  	_ =	shalt  }
0x5f: {  	_ =	shalt  }
0x60: {  	_ =	shalt  }
0x61: {  	_ =	shalt  }
0x62: {  	_ =	shalt  }
0x63: {  	_ =	shalt  }
0x64: {  	_ =	shalt  }
0x65: {  	_ =	shalt  }
0x66: {  	_ =	shalt  }
0x67: {  	_ =	shalt  }
0x68: {  	_ =	shalt  }
0x69: {  	_ =	shalt  }
0x6a: {  	_ =	shalt  }
0x6b: {  	_ =	shalt  }
0x6c: {  	_ =	shalt  }
0x6d: {  	_ =	shalt  }
0x6e: {  	_ =	shalt  }
0x6f: {  	_ =	shalt  }
0x70: {  	_ =	shalt  }
0x71: {  	_ =	shalt  }
0x72: {  	_ =	shalt  }
0x73: {  	_ =	shalt  }
0x74: {  	_ =	shalt  }
0x75: {  	_ =	shalt  }
0x76: {  	_ =	shalt  }
0x77: {  	_ =	shalt  }
0x78: {  	_ =	shalt  }
0x79: {  	_ =	shalt  }
0x7a: {  	_ =	shalt  }
0x7b: {  	_ =	shalt  }
0x7c: {  	_ =	shalt  }
0x7d: {  	_ =	shalt  }
0x7e: {  	_ =	shalt  }
0x7f: {  	_ =	shalt  }
0x80: {  	_ =	shalt  }
0x81: {  	_ =	shalt  }
0x82: {  	_ =	shalt  }
0x83: {  	_ =	shalt  }
0x84: {  	_ =	shalt  }
0x85: {  	_ =	shalt  }
0x86: {  	_ =	shalt  }
0x87: {  	_ =	shalt  }
.Lfunc_end0:
.L_simem_size_0:
called_computation_lowered:
.L_overlay_start_0:
0x88: {  	s2 =	sld [smem:$0x3FD9]  }
0x89: {  	s3 =	sld [smem:$0x3FFE];
	_ =	sdelay $0x1  }
0x8a: {  	s1 =	srdreg.scid  }
0x8b: {  	s0 =	sand.u32 $0x1, s1  }
0x8c: {  	s16 =	sshll.u32 s0, $0xA;
	s2 =	sadd.s32 s3, s2  }
0x8d: {  	s2 =	sadd.s32 s2, s16  }
0x8e: {  	[smem:$0x3FC7] =	sst s2  }
0x8f: {  	_ = 	snop  }
0x90: {  	(tm) =	ssettm $0x1  }
0x91: {  	s17 =	sld [smem:$0x3FFB];
	_ =	sdelay $0x3  }
0x92: {  	_ =	strace s17  }
0x93: {  	s2 =	sld [smem:$0x3FFC];
	_ =	sdelay $0x3  }
0x94: {  	_ =	strace s2  }
0x95: {  	s2 =	sld [smem:$0x3FFD];
	_ =	sdelay $0x3  }
0x96: {  	_ =	strace s2  }
0x97: {  	_ =	strace $0x8FFFFFFF  }
0x98: {  	s18 =	sld [smem:$0x3FDB];
	_ =	sdelay $0x1  }
0x99: {  	s19 =	simm.s32 $_scs_section_size  }
0x9a: {  	s4 =	simm.s32 $_size__tile_overlayer_lowered;
	s5 =	simm.s32 $_tile_overlayer_lowered  }
0x9b: {  	s22 =	simm.s32 $0x1BFF;
	s21 =	sshll.u32 s5, $0x1;
	s2 =	sadd.s32 s19, s18  }
0x9c: {  	s6 =	simm.s32 $0x0;
	s20 =	sshll.u32 s4, $0x1;
	s4 =	sadd.s32 s21, s2  }
0x9d: {  	[timem:s6], [sflag:s22] =	dma.local [hbm:s4], s20  }
0x9e: {  	_ =	swait.ge [sflag:s22], s20  }
0x9f: {  	s3 =	ssub.s32 $0x0, s20;
	[sflag:s22] =	ssyncset.done $0x0  }
0xa0: {  	[sflag:s22] =	ssyncadd.s32 s3;
	_ =	sdelay $0x1  }
0xa1: {  	s23 =	simm.s32 $0x1B8B  }
0xa2: {  	_ =	swait.ge [sflag:s23], $0x1  }
0xa3: {  	[sflag:s23] =	ssyncset.done $0x0  }
0xa4: {  	s25 =	simm.s32 $0x1B8E;
	s24 =	sld [smem:$0x3FFE];
	[sflag:s23] =	ssyncadd.s32 $0xFFFFFFFF  }
0xa5: {  	s26 =	simm.s32 $execute0_lowered;
	[smem:$0x3FD2] =	sst s25  }
0xa6: {  	s4 =	sshll.u32 s26, $0x1;
	_ =	strace $0x80000046;
	[dreg:$0x1] =	wrdreg $0xFFFFFFFF  }
0xa7: {  	s28 =	simm.s32 $_size_execute0_lowered;
	s2 =	sadd.s32 s2, s4;
	[dreg:$0x0] =	wrdreg $0x0  }
0xa8: {  	s4 =	sshll.u32 s28, $0x1;
	[dreg:$0x2] =	wrdreg s2  }
0xa9: {  	[dreg:$0x3] =	wrdreg s4  }
0xaa: {  	[dreg:$0x4] =	wrdreg $0xC0  }
0xab: {  	_ =	task [dreg:s6], $0x5FFFF  }
0xac: {  	[dreg:$0x1] =	wrdreg $0xFFFFFFFF  }
0xad: {  	[dreg:$0x0] =	wrdreg $0x60  }
0xae: {  	[dreg:$0x2] =	wrdreg s24  }
0xaf: {  	[dreg:$0x3] =	wrdreg $0x9  }
0xb0: {  	_ =	task.clear_ibuf [dreg:s6], $0x4FFFF;
	_ =	strace $0x90000046  }
0xb1: {  	s29 =	simm.s32 $0x9;
	_ =	strace $0x80000048  }
0xb2: {  	_ =	swait.ge [sflag:s29], $0x1  }
0xb3: {  	[sflag:s29] =	ssyncadd.s32 $0xFFFFFFFF  }
0xb4: {  	_ =	strace $0x90000048  }
0xb5: {  	_ =	sfence  }
0xb6: {  	s30 =	sld [smem:$0x0];
	_ =	sdelay $0x2  }
0xb7: {  	s31 =	sshll.u32 s1, $0xD;
	s1 =	sshrl.u32 s1, $0x2  }
0xb8: {  	s3 =	sand.u32 $0x4000, s31;
	s1 =	sadd.s32 s1, s30  }
0xb9: {  	s0 =	sor.u32 s3, s0;
	s1 =	sshll.u32 s1, $0x11  }
0xba: {  	s0 =	sor.u32 s1, s0  }
0xbb: {  	s0 =	sadd.s32 $0x8F2B, s0  }
0xbc: {  	[sflag:s0] =	ssyncadd.remote.s32 $0x1  }
0xbd: {  	_ =	sfence.sel $0xFFFF  }
0xbe: {  	[dreg:$0x0] =	wrdreg $0xFFFFFFFF;
	(pc) =	sbr.abs _section_cstart, $3  }
0xbf: {  	[dreg:$0x1] =	wrdreg $0xFFFFFFFF  }
0xc0: {  	_ =	task.clear_ibuf [dreg:s6], $0x2FFFF;
	_ =	strace $0x9FFFFFFF  }
0xc1: {  	(tm) =	ssettm $0x7FFFFFFF  }
tec
execute0_lowered:
.L_overlay_start_1:
0x0: {  	(tag) =	ssettag $0x1  }
0x1: {  	s5 =	rddreg [dreg:$0x0]  }
0x2: {  	s0 =	rddreg [dreg:$0x1];
	s3 =	srdreg.scid;
	s2 =	simm.s32 $0x0  }
0x3: {  	s1 =	stileid.u32;
	s10 =	simm.s32 $0x3;
	s11 =	simm.s32 $0x80  }
0x4: {  	s12 =	simm.s32 $0x400;
	s13 =	simm.s32 $0x1000;
	s14 =	simm.s32 $0x1  }
0x5: {  	s15 =	simm.s32 $0x2;
	s16 =	simm.s32 $0x4000;
	s17 =	simm.s32 $0x0  }
0x6: {  	s6 =	sand.u32 $0x1, s3;
	[smem:$0x7FF] =	sst s2;
	s4 =	sshll.u32 s1, $0x6  }
0x7: {  	s3 =	sadd.s32 $0x600, s5;
	s7 =	sshll.u32 s6, $0x5;
	_ =	strace $0x80000047  }
.Ltmp0:
0x8: {  	s6 =	ssub.s32 $0x2, s6;
	s4 =	sor.u32 s7, s4;
	(pc) =	sbr.rel .LBB2_1-.Ltmp0, $4  }
0x9: {  	v0 =	vlaneseq.u32;
	s30 =	sshrl.u32 s6, $0x1;
	s7 =	sshll.u32 s4, $0x5;
	s8 =	sshll.u32 s4, $0x4  }
0xa: {  	v2 =	vmul.u32 $0xFFFFFFFF, v0;
	s9 =	ssub.s32 s6, s30;
	s31 =	sshll.u32 s4, $0x9;
	s7 =	sadd.s32 s7, s5  }
0xb: {  	vm0 =	vmxor vm0, vm0;
	s8 =	sadd.s32 s8, s5;
	s6 =	sadd.s32 s3, s31;
	s5 =	sadd.s32 $0x80600, s7  }
0xc: {  	vm1 =	vcmask $0x3F04;
	v1 =	vmul.u32 $0x100, v0;
	v2 =	vadd.s32 $0xF, v2;
	s7 =	sadd.s32 $0x88600, s8;
	s8 =	smax.u32 s9, $0x1;
	s9 =	simm.s32 $0x2000  }
.LBB2_13:
0xd: {  	_ =	swait.ge [sflag:s14], $0x1000;
	s17 =	sadd.s32 $0x1, s17  }
0xe: {  	[sflag:s14] =	ssyncset.done $0x0;
	p0 =	sne.s32 s17, s8  }
.Ltmp1:
0xf: {  	[sflag:s14] =	ssyncadd.s32 $0xFFFFF000;
	(pc) =	sbr.rel @!p0 .LBB2_14-.Ltmp1, $4  }
0x10: {  	[hbm4b:s7+s2] =	stream.linear.scatter [tilespmem:s16], [sflag:$0x3], $0x1000, $0x38;
	[tilespmem:$0x5000] =	vst v63  }
0x11: {  	_ =	swait.ge [sflag:s10], $0x1000  }
0x12: {  	[sflag:s10] =	ssyncset.done $0x0  }
0x13: {  	[sflag:s10] =	ssyncadd.s32 $0xFFFFF000  }
.LBB2_1:
0x14: {  	[tilespmem:s9], [sflag:$0x3] =	stream.linear.gather [hbm4b:s5+s2], $0x2000, $0x38;
	[tilespmem:$0x5000] =	vst v63  }
.Ltmp2:
0x15: {  	_ = 	snop;
	(pc) =	sbr.rel .LBB2_2-.Ltmp2, $4  }
0x16: {  	_ =	swait.ge [sflag:s10], $0x2000  }
0x17: {  	[sflag:s10] =	ssyncset.done $0x0  }
0x18: {  	s18 =	simm.s32 $0x0;
	[sflag:s10] =	ssyncadd.s32 $0xFFFFE000  }
0x19: {  	[tilespmem:s2], [sflag:$0x1] =	stream.strided.gather [hbm4b:s6+s11], $0x1000, s12, s11, $0x38;
	[tilespmem:$0x5000] =	vst v63  }
.LBB2_12:
0x1a: {  	s18 =	sadd.s32 $0x1, s18  }
0x1b: {  	p0 =	sne.s32 s18, $0x10  }
.Ltmp3:
0x1c: {  	_ = 	snop;
	(pc) =	sbr.rel @!p0 .LBB2_13-.Ltmp3, $3  }
0x1d: {  	_ =	sdelay $0x1  }
0x1e: {  	s19 =	sand.u32 $0x3FFFFF80, s19  }
0x1f: {  	[tilespmem:s19+$0x4000] =	vst v3  }
.LBB2_2:
0x20: {  	s21 =	sshll.u32 s18, $0x1;
	s19 =	sshllo.u32 s18, $0x1  }
0x21: {  	s20 =	sadd.s32 s4, s21;
	s22 =	sshll.u32 s19, $0x4  }
0x22: {  	s20 =	sshll.u32 s20, $0x9;
	s22 =	sand.u32 $0x70, s22  }
0x23: {  	s20 =	sand.u32 $0x7F000, s20;
	s22 =	sadd.s32 s3, s22  }
0x24: {  	s20 =	sadd.s32 s20, s22  }
0x25: {  	[tilespmem:s13], [sflag:$0x2] =	stream.strided.gather [hbm4b:s20+s11], $0x1000, s12, s11, $0x38;
	[tilespmem:$0x5000] =	vst v63  }
0x26: {  	_ =	swait.ge [sflag:s14], $0x1000  }
0x27: {  	[sflag:s14] =	ssyncset.done $0x0  }
0x28: {  	s23 =	simm.s32 $0x0;
	[sflag:s14] =	ssyncadd.s32 $0xFFFFF000  }
0x29: {  	v3 =	vld.idx.msk [tilespmem:v1+s23+$0x0], $0xffff;
	_ =	sdelay $0x4  }
0x2a: {  	(xrf1) =	vsort.ascd.msk.f32 $0xffff, v3, v1;
	_ =	sdelay $0xd  }
0x2b: {  	v4, v3, _ =	vpop (xrf1)  }
0x2c: {  	(v2sf) =	vpush v4, $0xF;
	_ =	sdelay $0xa  }
.Ltmp4:
0x2d: {  	_ = 	snop;
	(pc) =	sbr.rel .LBB2_3-.Ltmp4, $4  }
0x2e: {  	s31 =	sshll.u32 s18, $0x9  }
0x2f: {  	s22 =	sshll.u32 s18, $0x8;
	s20 =	sand.u32 $0x1800, s31  }
0x30: {  	s24 =	sand.u32 $0x300, s22;
	s20 =	sor.u32 $0x2000, s20  }
0x31: {  	s24 =	sor.u32 s24, s20;
	s26 =	spop (v2sf)  }
.LBB2_6:
0x32: {  	s23 =	sadd.s32 $0x1, s23  }
0x33: {  	p0 =	sne.s32 s23, $0x10  }
.Ltmp5:
0x34: {  	_ = 	snop;
	(pc) =	sbr.rel @!p0 .LBB2_7-.Ltmp5, $1  }
0x35: {  	_ =	sdelay $0x3  }
.LBB2_3:
0x36: {  	s28 =	sshll.u32 s23, $0x7  }
0x37: {  	s25 =	sshll.u32 s23, $0x4;
	s28 =	sand.u32 $0x400, s28  }
0x38: {  	s29 =	sand.u32 $0x70, s25;
	s28 =	sadd.s32 s28, s24  }
0x39: {  	s28 =	sadd.s32 s29, s28  }
0x3a: {  	v5 =	vld [tilespmem:s28+$0x0];
	_ =	sdelay $0x2  }
0x3b: {  	p0 =	sne.s32 s23, $0x0;
	vm2 =	vmmov vm0  }
0x3c: {  	vm2 =	vmneg @p0 vm2  }
0x3d: {  	vm2 =	vmor vm2, vm1;
	vm3 =	vle.f32 v5, s26  }
0x3e: {  	vm2 =	vmand vm2, vm3  }
0x3f: {  	v6 =	vmpcnt.ones.xlane vm2;
	_ =	sdelay $0x1  }
0x40: {  	(v2sf) =	vpush v6, $0x0;
	_ =	sdelay $0xe  }
0x41: {  	s31 =	spop (v2sf)  }
0x42: {  	p0 =	slt.s32 s31, $0x1  }
.Ltmp6:
0x43: {  	_ = 	snop;
	(pc) =	sbr.rel @p0 .LBB2_6-.Ltmp6, $1  }
0x44: {  	_ =	sdelay $0x3  }
.LBB2_4:
0x45: {  	v6 =	vmctz.xlane vm2;
	_ =	sdelay $0x1  }
0x46: {  	(v2sf) =	vpush v6, $0x0;
	_ =	sdelay $0xe  }
0x47: {  	s26 =	spop (v2sf)  }
0x48: {  	s26 =	sadd.s32 s25, s26  }
0x49: {  	v7 =	vadd.s32 s26, v1;
	_ =	sdelay $0x4  }
0x4a: {  	v8 =	vld.idx.msk [tilespmem:v7+s2+$0x0], $0xffff;
	_ =	sdelay $0x4  }
0x4b: {  	(xrf1) =	vsort.ascd.msk.f32 $0xffff, v8, v7;
	_ =	sdelay $0xc  }
0x4c: {  	v4 =	vperm.xlane v4, v2;
	v3 =	vperm.xlane v3, v2  }
0x4d: {  	v7, v8, _ =	vpop (xrf1)  }
0x4e: {  	vm3 =	veq.f32 v7, v4;
	vm4 =	vlt.s32 v8, v3  }
0x4f: {  	vm5 =	vlt.f32 v7, v4;
	vm3 =	vmand vm3, vm4  }
0x50: {  	vm3 =	vmor vm5, vm3  }
0x51: {  	v4 =	vsel vm3, v7, v4;
	v3 =	vsel vm3, v8, v3  }
0x52: {  	(xrf1) =	vsort.ascd.msk.f32 $0xffff, v4, v3;
	_ =	sdelay $0xd  }
0x53: {  	v4, v3, _ =	vpop (xrf1)  }
0x54: {  	v6 =	vbroadcast v6, $0x0;
	v7 =	vbroadcast v4, $0xF;
	_ =	sdelay $0x1  }
0x55: {  	vm3 =	vne.s32 v6, v0;
	vm15 =	vle.f32 v5, v7  }
0x56: {  	vm3 =	vmand vm3, vm15  }
0x57: {  	vm2 =	vmand vm2, vm3  }
0x58: {  	v6 =	vmpcnt.ones.xlane vm2;
	_ =	sdelay $0x1  }
0x59: {  	(v2sf) =	vpush v6, $0x0;
	_ =	sdelay $0xe  }
0x5a: {  	s31 =	spop (v2sf)  }
0x5b: {  	p0 =	sgt.s32 s31, $0x0  }
.Ltmp7:
0x5c: {  	_ = 	snop;
	(pc) =	sbr.rel @p0 .LBB2_4-.Ltmp7, $1  }
0x5d: {  	_ =	sdelay $0x3  }
0x5e: {  	(v2sf) =	vpush v4, $0xF;
	_ =	sdelay $0xa  }
.Ltmp8:
0x5f: {  	_ = 	snop;
	(pc) =	sbr.rel .LBB2_6-.Ltmp8, $2  }
0x60: {  	_ =	sdelay $0x2  }
0x61: {  	s26 =	spop (v2sf)  }
.LBB2_7:
0x62: {  	s21 =	smin.u32 s21, $0x1D  }
0x63: {  	s21 =	sadd.s32 $0x2, s21  }
0x64: {  	s23 =	sadd.s32 s4, s21;
	s21 =	sshll.u32 s21, $0x4  }
0x65: {  	s23 =	sshll.u32 s23, $0x9;
	s21 =	sand.u32 $0x70, s21  }
0x66: {  	s22 =	sand.u32 $0x3FFFFF00, s22;
	s23 =	sand.u32 $0xFF000, s23;
	s21 =	sadd.s32 s3, s21  }
0x67: {  	[tilespmem:s22+$0x4000] =	vst v3;
	s30 =	sadd.s32 s23, s21;
	s21 =	simm.s32 $0x0  }
0x68: {  	[tilespmem:s21], [sflag:$0x1] =	stream.strided.gather [hbm4b:s30+s11], $0x1000, s12, s11, $0x38;
	[tilespmem:$0x5000] =	vst v63  }
0x69: {  	_ =	swait.ge [sflag:s15], $0x1000  }
0x6a: {  	[sflag:s15] =	ssyncset.done $0x0  }
0x6b: {  	[sflag:s15] =	ssyncadd.s32 $0xFFFFF000  }
0x6c: {  	v3 =	vld.idx.msk [tilespmem:v1+s13+$0x0], $0xffff;
	_ =	sdelay $0x4  }
0x6d: {  	(xrf1) =	vsort.ascd.msk.f32 $0xffff, v3, v1;
	_ =	sdelay $0xd  }
0x6e: {  	v4, v3, _ =	vpop (xrf1)  }
0x6f: {  	(v2sf) =	vpush v4, $0xF;
	_ =	sdelay $0xa  }
.Ltmp9:
0x70: {  	_ = 	snop;
	(pc) =	sbr.rel .LBB2_8-.Ltmp9, $4  }
0x71: {  	_ = 	snop  }
0x72: {  	s19 =	sshll.u32 s19, $0x7  }
0x73: {  	s31 =	sand.u32 $0x380, s19  }
0x74: {  	s20 =	sadd.s32 s31, s20;
	s23 =	spop (v2sf)  }
.LBB2_11:
0x75: {  	s21 =	sadd.s32 $0x1, s21  }
0x76: {  	p0 =	sne.s32 s21, $0x10  }
.Ltmp10:
0x77: {  	_ = 	snop;
	(pc) =	sbr.rel @!p0 .LBB2_12-.Ltmp10, $1  }
0x78: {  	_ =	sdelay $0x3  }
.LBB2_8:
0x79: {  	s24 =	sshll.u32 s21, $0x7  }
0x7a: {  	s22 =	sshll.u32 s21, $0x4;
	s24 =	sand.u32 $0x400, s24  }
0x7b: {  	s25 =	sand.u32 $0x70, s22;
	s24 =	sadd.s32 s24, s20  }
0x7c: {  	s24 =	sadd.s32 s25, s24  }
0x7d: {  	v5 =	vld [tilespmem:s24+$0x0];
	_ =	sdelay $0x2  }
0x7e: {  	p0 =	sne.s32 s21, $0x0;
	vm2 =	vmmov vm0  }
0x7f: {  	vm2 =	vmneg @p0 vm2  }
0x80: {  	vm2 =	vmor vm2, vm1;
	vm3 =	vle.f32 v5, s23  }
0x81: {  	vm2 =	vmand vm2, vm3  }
0x82: {  	v6 =	vmpcnt.ones.xlane vm2;
	_ =	sdelay $0x1  }
0x83: {  	(v2sf) =	vpush v6, $0x0;
	_ =	sdelay $0xe  }
0x84: {  	s31 =	spop (v2sf)  }
0x85: {  	p0 =	slt.s32 s31, $0x1  }
.Ltmp11:
0x86: {  	_ = 	snop;
	(pc) =	sbr.rel @p0 .LBB2_11-.Ltmp11, $1  }
0x87: {  	_ =	sdelay $0x3  }
.LBB2_9:
0x88: {  	v6 =	vmctz.xlane vm2;
	_ =	sdelay $0x1  }
0x89: {  	(v2sf) =	vpush v6, $0x0;
	_ =	sdelay $0xe  }
0x8a: {  	s23 =	spop (v2sf)  }
0x8b: {  	s23 =	sadd.s32 s22, s23  }
0x8c: {  	v7 =	vadd.s32 s23, v1;
	_ =	sdelay $0x4  }
0x8d: {  	v8 =	vld.idx.msk [tilespmem:v7+s13+$0x0], $0xffff;
	_ =	sdelay $0x4  }
0x8e: {  	(xrf1) =	vsort.ascd.msk.f32 $0xffff, v8, v7;
	_ =	sdelay $0xc  }
0x8f: {  	v4 =	vperm.xlane v4, v2;
	v3 =	vperm.xlane v3, v2  }
0x90: {  	v7, v8, _ =	vpop (xrf1)  }
0x91: {  	vm3 =	veq.f32 v7, v4;
	vm4 =	vlt.s32 v8, v3  }
0x92: {  	vm5 =	vlt.f32 v7, v4;
	vm3 =	vmand vm3, vm4  }
0x93: {  	vm3 =	vmor vm5, vm3  }
0x94: {  	v4 =	vsel vm3, v7, v4;
	v3 =	vsel vm3, v8, v3  }
0x95: {  	(xrf1) =	vsort.ascd.msk.f32 $0xffff, v4, v3;
	_ =	sdelay $0xd  }
0x96: {  	v4, v3, _ =	vpop (xrf1)  }
0x97: {  	v6 =	vbroadcast v6, $0x0;
	v7 =	vbroadcast v4, $0xF;
	_ =	sdelay $0x1  }
0x98: {  	vm3 =	vne.s32 v6, v0;
	vm15 =	vle.f32 v5, v7  }
0x99: {  	vm3 =	vmand vm3, vm15  }
0x9a: {  	vm2 =	vmand vm2, vm3  }
0x9b: {  	v6 =	vmpcnt.ones.xlane vm2;
	_ =	sdelay $0x1  }
0x9c: {  	(v2sf) =	vpush v6, $0x0;
	_ =	sdelay $0xe  }
0x9d: {  	s31 =	spop (v2sf)  }
0x9e: {  	p0 =	sgt.s32 s31, $0x0  }
.Ltmp12:
0x9f: {  	_ = 	snop;
	(pc) =	sbr.rel @p0 .LBB2_9-.Ltmp12, $1  }
0xa0: {  	_ =	sdelay $0x3  }
0xa1: {  	(v2sf) =	vpush v4, $0xF;
	_ =	sdelay $0xa  }
.Ltmp13:
0xa2: {  	_ = 	snop;
	(pc) =	sbr.rel .LBB2_11-.Ltmp13, $2  }
0xa3: {  	_ =	sdelay $0x2  }
0xa4: {  	s23 =	spop (v2sf)  }
.LBB2_14:
0xa5: {  	_ =	sfence.sel $0x180000  }
0xa6: {  	[bflag:$0x0] =	sbarrier.arrive $0xFFFF  }
0xa7: {  	p0 =	sne.s32 s1, $0x0;
	_ =	strace $0x90000047  }
0xa8: {  	s0 =	sadd.s32 @!p0 $0x100000, s0;
	[bflag:$0x2] =	sbarrier.arrive $0xFFFF  }
0xa9: {  	[sflag:s0] =	ssyncadd.tile.s32 @!p0 $0x1;
	_ =	shalt  }
.Lfunc_end2:
_tile_overlayer_lowered:
.L_overlay_start_2:
0xaa: {  	(tag) =	ssettag $0x2  }
0xab: {  	s0 =	rddreg [dreg:$0x0];
	s2 =	stileid.u32  }
0xac: {  	s1 =	rddreg [dreg:$0x1];
	p0 =	sne.s32 s2, $0x0  }
0xad: {  	s3 =	rddreg [dreg:$0x2];
	[bflag:$0x3] =	sbarrier.arrive $0xFFFF;
	s2 =	simm.s32 @!p0 $0x1C03  }
0xae: {  	[timem:s3], [sflag:s2] =	dma.local @!p0 [hbm:s0], s1  }
0xaf: {  	s0 =	simm.s32 @!p0 $0x3  }
0xb0: {  	_ =	swait.ge @!p0 [sflag:s0], s1  }
0xb1: {  	s1 =	ssub.s32 @!p0 $0x0, s1;
	[sflag:s0] =	ssyncset.done @!p0 $0x0  }
0xb2: {  	[sflag:s0] =	ssyncadd.s32 @!p0 s1  }
0xb3: {  	[bflag:$0x3] =	sbarrier.arrive $0xFFFF  }
0xb4: {  	_ =	shalt  }

</sc_bundles>
